<compile_context>
chip_gen: v7x
topology: tpu7x:2x2x1
jax: 0.10.2.dev20260603
libtpu: 0.0.44.dev20260713+nightly
codegen_flags: <defaults>
</compile_context>

<pallas_src>
import jax
import jax.numpy as jnp
from jax.experimental import pallas as pl
from jax.experimental.pallas import tpu as pltpu
from jax.experimental.pallas import tpu_sc as plsc

_PREC = jax.lax.Precision.DEFAULT

_M_BLK = 512
_CHUNK = 512
_KBLK = 1024
_GW = 128


def _codebook_body(w_ref, wT_ref, cb_ref, cbT_ref, qc_ref, qcT2_ref):
    qc_ref[...] = jnp.dot(cb_ref[...], wT_ref[...],
                          preferred_element_type=jnp.float32,
                          precision=_PREC)
    qcT = jnp.dot(w_ref[...], cbT_ref[...],
                  preferred_element_type=jnp.float32,
                  precision=_PREC)
    qcT2_ref[...] = (qcT + qcT).astype(jnp.bfloat16)


def _argmin_body(z_ref, zsq_ref, qcT2_ref, csq_ref, idx_ref, d2_ref):
    z = z_ref[...].astype(jnp.bfloat16)
    m = z.shape[0]
    zsq = zsq_ref[...]
    n_codes = qcT2_ref.shape[1]
    nch = n_codes // _CHUNK

    run_m = jnp.full((m, 1), jnp.inf, jnp.float32)
    for j in range(nch):
        qct2 = qcT2_ref[:, j * _CHUNK:(j + 1) * _CHUNK]
        s2 = jnp.dot(z, qct2, preferred_element_type=jnp.float32,
                     precision=_PREC)
        d2c = jnp.maximum(
            zsq - s2 + csq_ref[:, j * _CHUNK:(j + 1) * _CHUNK], 0.0)
        d2_ref[:, j * _CHUNK:(j + 1) * _CHUNK] = d2c
        run_m = jnp.minimum(run_m, jnp.min(d2c, axis=1, keepdims=True))

    u = jnp.sqrt(run_m)
    x0 = pltpu.bitcast(u * u, jnp.int32)
    deltas = jax.lax.broadcasted_iota(jnp.int32, (m, 16), 1) - jnp.int32(4)
    c = jnp.maximum(x0 + deltas, 0)
    xf = pltpu.bitcast(c, jnp.float32)
    okxf = jnp.where(jnp.sqrt(xf) <= u, xf, jnp.float32(0.0))
    thr = jnp.maximum(jnp.max(okxf, axis=1, keepdims=True), run_m)

    ids = jax.lax.broadcasted_iota(
        jnp.int32, (m, _CHUNK), 1).astype(jnp.float32)
    bigf = jnp.float32(1e9)
    run_i = jnp.full((m, 1), bigf, jnp.float32)
    for j in range(nch):
        d2c = d2_ref[:, j * _CHUNK:(j + 1) * _CHUNK]
        cand = jnp.min(jnp.where(d2c <= thr, ids, bigf),
                       axis=1, keepdims=True)
        run_i = jnp.minimum(run_i, cand + jnp.float32(j * _CHUNK))
    idx_ref[...] = run_i.astype(jnp.int32)


def _sc_gather(table, idx_row):
    n = idx_row.shape[1]
    d = table.shape[1]
    mesh = plsc.VectorSubcoreMesh(core_axis_name="core",
                                  subcore_axis_name="subcore")

    @pl.kernel(out_type=jax.ShapeDtypeStruct((n, d), table.dtype), mesh=mesh)
    def _gather_kernel(tab_hbm, i_hbm, o_hbm):
        def body(i_vmem, o_vmem):
            pltpu.sync_copy(tab_hbm.at[i_vmem.at[0]], o_vmem)

        pltpu.emit_pipeline(
            body,
            grid=(n // _GW,),
            in_specs=[pl.BlockSpec((1, _GW), index_map=lambda i: (0, i))],
            out_specs=[pl.BlockSpec((_GW, d), index_map=lambda i: (i, 0))],
            core_axis_name=("core", "subcore"),
            dimension_semantics=(pltpu.PARALLEL,),
        )(i_hbm, o_hbm)

    return _gather_kernel(table, idx_row)


def kernel(z, codebook, W):
    b, dim = z.shape
    k = codebook.shape[0]

    qc, qcT2 = pl.pallas_call(
        _codebook_body,
        grid=(k // _KBLK,),
        in_specs=[
            pl.BlockSpec((dim, dim), lambda i: (0, 0)),
            pl.BlockSpec((dim, dim), lambda i: (0, 0)),
            pl.BlockSpec((_KBLK, dim), lambda i: (i, 0)),
            pl.BlockSpec((dim, _KBLK), lambda i: (0, i)),
        ],
        out_specs=[
            pl.BlockSpec((_KBLK, dim), lambda i: (i, 0)),
            pl.BlockSpec((dim, _KBLK), lambda i: (0, i)),
        ],
        out_shape=[
            jax.ShapeDtypeStruct((k, dim), jnp.float32),
            jax.ShapeDtypeStruct((dim, k), jnp.bfloat16),
        ],
    )(W, W.T, codebook, codebook.T)

    zsq = jnp.sum(z * z, axis=1, keepdims=True)
    csq = jnp.sum(qc * qc, axis=1)[None, :]

    idx2d = pl.pallas_call(
        _argmin_body,
        grid=(b // _M_BLK,),
        in_specs=[
            pl.BlockSpec((_M_BLK, dim), lambda i: (i, 0)),
            pl.BlockSpec((_M_BLK, 1), lambda i: (i, 0)),
            pl.BlockSpec((dim, k), lambda i: (0, 0)),
            pl.BlockSpec((1, k), lambda i: (0, 0)),
        ],
        out_specs=pl.BlockSpec((_M_BLK, 1), lambda i: (i, 0)),
        out_shape=jax.ShapeDtypeStruct((b, 1), jnp.int32),
        scratch_shapes=[pltpu.VMEM((_M_BLK, k), jnp.float32)],
    )(z, zsq, qcT2, csq)

    indices = idx2d.reshape(b)
    quantized = _sc_gather(qc, idx2d.reshape(1, b))
    return (quantized, indices)

# --- scband reference (transcript-rebuilt; emitter-appended) ---
"""Pipeline reference for scband-sim-vqcodebook-14946486190088 (READ-ONLY COPY).

The authoritative reference and input builder live on the scoring server;
editing this copy changes nothing except your own understanding.
"""

import jax, jax.numpy as jnp
import numpy as np

K = 8192
DIM = 256
B = 16384


def setup_inputs(seed: int = 0) -> dict:
    key = jax.random.key(seed)
    k1, k2, k3 = jax.random.split(key, 3)
    z = jax.random.normal(k1, (B, DIM), dtype=jnp.float32)
    # frozen codebook: normal(0, dim**-0.5)
    codebook = jax.random.normal(k2, (K, DIM), dtype=jnp.float32) * (DIM ** -0.5)
    # learnable linear weight W (dim, dim), orthogonal init
    A = jax.random.normal(k3, (DIM, DIM), dtype=jnp.float32)
    Q, _ = jnp.linalg.qr(A)
    W = Q.astype(jnp.float32)
    return {"z": z, "codebook": codebook, "W": W}


def reference(z, codebook, W):
    # quant_codebook = linear(codebook) ; torch Linear: y = x @ W.T
    quant_codebook = codebook @ W.T  # (K, dim)
    # torch.cdist (euclidean) between z (B, dim) and quant_codebook (K, dim)
    z_sq = jnp.sum(z * z, axis=1, keepdims=True)               # (B, 1)
    c_sq = jnp.sum(quant_codebook * quant_codebook, axis=1)    # (K,)
    d2 = z_sq - 2.0 * (z @ quant_codebook.T) + c_sq[None, :]   # (B, K)
    distances = jnp.sqrt(jnp.maximum(d2, 0.0))
    indices = jnp.argmin(distances, axis=-1)                   # (B,)
    quantized = jnp.take(quant_codebook, indices, axis=0)      # (B, dim)
    quantized_st = z + jax.lax.stop_gradient(quantized - z)    # straight-through
    return (quantized_st, indices)

if __name__ == "__main__":
    import jax
    _d = setup_inputs()
    print(jax.jit(kernel)(*tuple(_d.values())))

</pallas_src>

<mosaic_0001>
#map = affine_map<(d0, d1) -> (0, 0)>
module attributes {stable_mosaic.version = 14 : i64} {
  func.func @_gather_kernel(%arg0: i32, %arg1: i32, %arg2: memref<8192x256xf32, #tpu.memory_space<hbm>>, %arg3: memref<1x16384xi32, #tpu.memory_space<hbm>>, %arg4: memref<16384x256xf32, #tpu.memory_space<hbm>>) attributes {dimension_semantics = [#tpu.dimension_semantics<core_parallel>, #tpu.dimension_semantics<subcore_parallel>], iteration_bounds = array<i64: 2, 16>, scalar_prefetch = 0 : i64, scratch_operands = 0 : i64, tpu.core_type = #tpu.core_type<sc_vector_subcore>, window_params = [{transform_indices = #map}, {transform_indices = #map}, {transform_indices = #map}]} {
    %mul3A = arith.constant 1 : i32
    %mul3A_0 = arith.muli %arg1, %mul3A : i32
    %add3A = arith.constant 0 : i32
    %add3A_1 = arith.addi %add3A, %mul3A_0 : i32
    %mul3A_2 = arith.constant 16 : i32
    %mul3A_3 = arith.muli %arg0, %mul3A_2 : i32
    %add3A_4 = arith.addi %add3A_1, %mul3A_3 : i32
    %mul3A_5 = arith.constant 4 : i32
    %mul3A_6 = arith.muli %add3A_4, %mul3A_5 : i32
    "tpu.region"() ({
      %run_scoped3A = memref.alloca() : memref<2x1x128xi32, #tpu.memory_space<vmem>>
      %run_scoped3A_7 = tpu.sem_alloc : memref<2x!tpu.dma_semaphore, #tpu.memory_space<semaphore_mem>>
      %run_scoped3A_8 = memref.alloca() : memref<2x128x256xf32, #tpu.memory_space<vmem>>
      %run_scoped3A_9 = tpu.sem_alloc : memref<2x!tpu.dma_semaphore, #tpu.memory_space<semaphore_mem>>
      %add3A_10 = arith.constant 0 : i32
      %add3A_11 = arith.addi %add3A_10, %mul3A_6 : i32
      %select_n3A = arith.constant true
      %select_n3A_12 = arith.constant 0 : i32
      %select_n3A_13 = arith.constant -1 : i32
      %select_n3A_14 = arith.select %select_n3A, %select_n3A_13, %select_n3A_12 : i32
      %eq3A = arith.constant -1 : i32
      %eq3A_15 = arith.cmpi eq, %select_n3A_14, %eq3A : i32
      %select_n3A_16 = arith.constant 3 : i32
      %select_n3A_17 = arith.select %eq3A_15, %select_n3A_16, %select_n3A_14 : i32
      %add3A_18 = arith.addi %select_n3A_17, %mul3A_6 : i32
      %select_n3A_19 = arith.constant true
      %select_n3A_20 = arith.constant 0 : i32
      %select_n3A_21 = arith.constant 1 : i32
      %select_n3A_22 = arith.select %select_n3A_19, %select_n3A_21, %select_n3A_20 : i32
      %eq3A_23 = arith.constant 4 : i32
      %eq3A_24 = arith.cmpi eq, %select_n3A_22, %eq3A_23 : i32
      %select_n3A_25 = arith.constant 0 : i32
      %select_n3A_26 = arith.select %eq3A_24, %select_n3A_25, %select_n3A_22 : i32
      %add3A_27 = arith.addi %select_n3A_26, %mul3A_6 : i32
      %add3A_28 = arith.constant 1 : i32
      %add3A_29 = arith.addi %select_n3A_26, %add3A_28 : i32
      %select_n3A_30 = arith.constant true
      %select_n3A_31 = arith.select %select_n3A_30, %add3A_29, %select_n3A_26 : i32
      %eq3A_32 = arith.constant 4 : i32
      %eq3A_33 = arith.cmpi eq, %select_n3A_31, %eq3A_32 : i32
      %select_n3A_34 = arith.constant 0 : i32
      %select_n3A_35 = arith.select %eq3A_33, %select_n3A_34, %select_n3A_31 : i32
      %add3A_36 = arith.addi %select_n3A_35, %mul3A_6 : i32
      "tpu.trace_start"() <{level = 10 : i32, message = "ep_initialize_0"}> : () -> ()
      %rem3A = arith.constant 0 : i32
      %rem3A_37 = arith.constant 2 : i32
      %rem3A_38 = arith.remui %rem3A, %rem3A_37 : i32
      %mul3A_39 = arith.constant 128 : i32
      %mul3A_40 = arith.muli %mul3A_39, %add3A_11 : i32
      %dma_start3A = arith.constant 0 : i32
      %dma_start3A_41 = arith.constant 0 : i32
      %dma_start3A_42 = tpu.memref_slice %run_scoped3A[%rem3A_38, %dma_start3A, %dma_start3A_41] : memref<2x1x128xi32, #tpu.memory_space<vmem>> -> memref<1x1x128xi32, #tpu.memory_space<vmem>>
      %dma_start3A_43 = tpu.memref_squeeze %dma_start3A_42 : memref<1x1x128xi32, #tpu.memory_space<vmem>> -> memref<1x128xi32, #tpu.memory_space<vmem>>
      %dma_start3A_44 = arith.constant 0 : i32
      %dma_start3A_45 = tpu.memref_slice %arg3[%dma_start3A_44, %mul3A_40] : memref<1x16384xi32, #tpu.memory_space<hbm>> -> memref<1x128xi32, #tpu.memory_space<hbm>>
      %dma_start3A_46 = tpu.memref_slice %run_scoped3A_7[%rem3A_38] : memref<2x!tpu.dma_semaphore, #tpu.memory_space<semaphore_mem>> -> memref<1x!tpu.dma_semaphore, #tpu.memory_space<semaphore_mem>>
      %dma_start3A_47 = tpu.memref_squeeze %dma_start3A_46 : memref<1x!tpu.dma_semaphore, #tpu.memory_space<semaphore_mem>> -> memref<!tpu.dma_semaphore, #tpu.memory_space<semaphore_mem>>
      %dma_start3A_48 = arith.constant 0 : i32
      %dma_start3A_49 = arith.constant 0 : i32
      %dma_start3A_50 = tpu.memref_slice %run_scoped3A[%rem3A_38, %dma_start3A_48, %dma_start3A_49] : memref<2x1x128xi32, #tpu.memory_space<vmem>> -> memref<1x1x128xi32, #tpu.memory_space<vmem>>
      %dma_start3A_51 = tpu.memref_squeeze %dma_start3A_50 : memref<1x1x128xi32, #tpu.memory_space<vmem>> -> memref<1x128xi32, #tpu.memory_space<vmem>>
      %dma_start3A_52 = arith.constant 0 : i32
      %dma_start3A_53 = tpu.memref_slice %arg3[%dma_start3A_52, %mul3A_40] : memref<1x16384xi32, #tpu.memory_space<hbm>> -> memref<1x128xi32, #tpu.memory_space<hbm>>
      tpu.enqueue_dma source(%dma_start3A_53 : memref<1x128xi32, #tpu.memory_space<hbm>>) target(%dma_start3A_51 : memref<1x128xi32, #tpu.memory_space<vmem>>) target_semaphore(%dma_start3A_47 : memref<!tpu.dma_semaphore, #tpu.memory_space<semaphore_mem>>)
      %add3A_54 = arith.constant 0 : i32
      %add3A_55 = arith.constant 1 : i32
      %add3A_56 = arith.addi %add3A_54, %add3A_55 : i32
      %select_n3A_57 = arith.constant true
      %select_n3A_58 = arith.constant 0 : i32
      %select_n3A_59 = arith.select %select_n3A_57, %add3A_56, %select_n3A_58 : i32
      "tpu.trace_stop"() : () -> ()
      %scan3A = arith.constant 0 : i32
      %scan3A_60 = arith.constant 0 : i32
      %scan3A_61 = arith.constant 0 : i32
      %scan3A_62 = arith.constant 0 : i32
      %scan3A_63 = arith.constant 0 : i32
      %scan3A_64 = arith.constant 4 : i32
      %scan3A_65 = arith.addi %scan3A_63, %scan3A_64 : i32
      %scan3A_66 = arith.constant 1 : i32
      %scan3A_67:5 = scf.for %scan3A_121 = %scan3A_63 to %scan3A_65 step %scan3A_66 iter_args(%scan3A_122 = %select_n3A_59, %scan3A_123 = %scan3A, %scan3A_124 = %scan3A_60, %scan3A_125 = %scan3A_61, %scan3A_126 = %scan3A_62) -> (i32, i32, i32, i32, i32)  : i32 {
        %eq3A_127 = arith.constant 0 : i32
        %eq3A_128 = arith.cmpi eq, %scan3A_121, %eq3A_127 : i32
        %eq3A_129 = arith.constant 3 : i32
        %eq3A_130 = arith.cmpi eq, %scan3A_121, %eq3A_129 : i32
        %add3A_131 = arith.addi %scan3A_126, %mul3A_6 : i32
        %sub3A_132 = arith.constant 1 : i32
        %sub3A_133 = arith.subi %scan3A_126, %sub3A_132 : i32
        %select_n3A_134 = arith.constant true
        %select_n3A_135 = arith.select %select_n3A_134, %sub3A_133, %scan3A_126 : i32
        %eq3A_136 = arith.constant -1 : i32
        %eq3A_137 = arith.cmpi eq, %select_n3A_135, %eq3A_136 : i32
        %select_n3A_138 = arith.constant 3 : i32
        %select_n3A_139 = arith.select %eq3A_137, %select_n3A_138, %select_n3A_135 : i32
        %add3A_140 = arith.addi %select_n3A_139, %mul3A_6 : i32
        %add3A_141 = arith.constant 1 : i32
        %add3A_142 = arith.addi %scan3A_126, %add3A_141 : i32
        %select_n3A_143 = arith.constant true
        %select_n3A_144 = arith.select %select_n3A_143, %add3A_142, %scan3A_126 : i32
        %eq3A_145 = arith.constant 4 : i32
        %eq3A_146 = arith.cmpi eq, %select_n3A_144, %eq3A_145 : i32
        %select_n3A_147 = arith.constant 0 : i32
        %select_n3A_148 = arith.select %eq3A_146, %select_n3A_147, %select_n3A_144 : i32
        %add3A_149 = arith.addi %select_n3A_148, %mul3A_6 : i32
        %add3A_150 = arith.constant 1 : i32
        %add3A_151 = arith.addi %select_n3A_148, %add3A_150 : i32
        %select_n3A_152 = arith.constant true
        %select_n3A_153 = arith.select %select_n3A_152, %add3A_151, %select_n3A_148 : i32
        %eq3A_154 = arith.constant 4 : i32
        %eq3A_155 = arith.cmpi eq, %select_n3A_153, %eq3A_154 : i32
        %select_n3A_156 = arith.constant 0 : i32
        %select_n3A_157 = arith.select %eq3A_155, %select_n3A_156, %select_n3A_153 : i32
        %add3A_158 = arith.addi %select_n3A_157, %mul3A_6 : i32
        %ne3A = arith.cmpi ne, %add3A_131, %add3A_149 : i32
        %or3A = arith.constant false
        %or3A_159 = arith.ori %or3A, %ne3A : i1
        %ge3A = arith.constant 3 : i32
        %ge3A_160 = arith.cmpi sge, %scan3A_121, %ge3A : i32
        %not3A = arith.constant true
        %not3A_161 = arith.xori %ge3A_160, %not3A : i1
        %and3A = arith.andi %or3A_159, %not3A_161 : i1
        %convert_element_type3A = arith.extui %and3A : i1 to i32
        %cond3A = arith.constant 0 : i32
        %cond3A_162 = arith.cmpi ne, %convert_element_type3A, %cond3A : i32
        scf.if %cond3A_162 {
          "tpu.trace_start"() <{level = 10 : i32, message = "ep_copy_in"}> : () -> ()
          %rem3A_264 = arith.constant 2 : i32
          %rem3A_265 = arith.remui %scan3A_122, %rem3A_264 : i32
          %mul3A_266 = arith.constant 128 : i32
          %mul3A_267 = arith.muli %mul3A_266, %add3A_149 : i32
          %dma_start3A_268 = arith.constant 0 : i32
          %dma_start3A_269 = arith.constant 0 : i32
          %dma_start3A_270 = tpu.memref_slice %run_scoped3A[%rem3A_265, %dma_start3A_268, %dma_start3A_269] : memref<2x1x128xi32, #tpu.memory_space<vmem>> -> memref<1x1x128xi32, #tpu.memory_space<vmem>>
          %dma_start3A_271 = tpu.memref_squeeze %dma_start3A_270 : memref<1x1x128xi32, #tpu.memory_space<vmem>> -> memref<1x128xi32, #tpu.memory_space<vmem>>
          %dma_start3A_272 = arith.constant 0 : i32
          %dma_start3A_273 = tpu.memref_slice %arg3[%dma_start3A_272, %mul3A_267] : memref<1x16384xi32, #tpu.memory_space<hbm>> -> memref<1x128xi32, #tpu.memory_space<hbm>>
          %dma_start3A_274 = tpu.memref_slice %run_scoped3A_7[%rem3A_265] : memref<2x!tpu.dma_semaphore, #tpu.memory_space<semaphore_mem>> -> memref<1x!tpu.dma_semaphore, #tpu.memory_space<semaphore_mem>>
          %dma_start3A_275 = tpu.memref_squeeze %dma_start3A_274 : memref<1x!tpu.dma_semaphore, #tpu.memory_space<semaphore_mem>> -> memref<!tpu.dma_semaphore, #tpu.memory_space<semaphore_mem>>
          %dma_start3A_276 = arith.constant 0 : i32
          %dma_start3A_277 = arith.constant 0 : i32
          %dma_start3A_278 = tpu.memref_slice %run_scoped3A[%rem3A_265, %dma_start3A_276, %dma_start3A_277] : memref<2x1x128xi32, #tpu.memory_space<vmem>> -> memref<1x1x128xi32, #tpu.memory_space<vmem>>
          %dma_start3A_279 = tpu.memref_squeeze %dma_start3A_278 : memref<1x1x128xi32, #tpu.memory_space<vmem>> -> memref<1x128xi32, #tpu.memory_space<vmem>>
          %dma_start3A_280 = arith.constant 0 : i32
          %dma_start3A_281 = tpu.memref_slice %arg3[%dma_start3A_280, %mul3A_267] : memref<1x16384xi32, #tpu.memory_space<hbm>> -> memref<1x128xi32, #tpu.memory_space<hbm>>
          tpu.enqueue_dma source(%dma_start3A_281 : memref<1x128xi32, #tpu.memory_space<hbm>>) target(%dma_start3A_279 : memref<1x128xi32, #tpu.memory_space<vmem>>) target_semaphore(%dma_start3A_275 : memref<!tpu.dma_semaphore, #tpu.memory_space<semaphore_mem>>)
          "tpu.trace_stop"() : () -> ()
        } else {
        }
        %and3A_163 = arith.constant true
        %and3A_164 = arith.andi %and3A, %and3A_163 : i1
        %add3A_165 = arith.constant 1 : i32
        %add3A_166 = arith.addi %scan3A_122, %add3A_165 : i32
        %select_n3A_167 = arith.select %and3A_164, %add3A_166, %scan3A_122 : i32
        %ne3A_168 = arith.cmpi ne, %add3A_131, %add3A_149 : i32
        %or3A_169 = arith.constant false
        %or3A_170 = arith.ori %or3A_169, %ne3A_168 : i1
        %or3A_171 = arith.constant false
        %or3A_172 = arith.ori %or3A_170, %or3A_171 : i1
        %ge3A_173 = arith.constant 3 : i32
        %ge3A_174 = arith.cmpi sge, %scan3A_121, %ge3A_173 : i32
        %not3A_175 = arith.constant true
        %not3A_176 = arith.xori %ge3A_174, %not3A_175 : i1
        %and3A_177 = arith.andi %or3A_172, %not3A_176 : i1
        %ne3A_178 = arith.cmpi ne, %add3A_131, %add3A_140 : i32
        %or3A_179 = arith.constant false
        %or3A_180 = arith.ori %or3A_179, %ne3A_178 : i1
        %or3A_181 = arith.ori %or3A_180, %eq3A_128 : i1
        %convert_element_type3A_182 = arith.extui %or3A_181 : i1 to i32
        %cond3A_183 = arith.constant 0 : i32
        %cond3A_184 = arith.cmpi ne, %convert_element_type3A_182, %cond3A_183 : i32
        scf.if %cond3A_184 {
          "tpu.trace_start"() <{level = 10 : i32, message = "ep_wait_in"}> : () -> ()
          %mul3A_264 = arith.constant 128 : i32
          %mul3A_265 = arith.muli %mul3A_264, %add3A_131 : i32
          %rem3A_266 = arith.constant 2 : i32
          %rem3A_267 = arith.remui %scan3A_123, %rem3A_266 : i32
          %dma_wait3A_268 = arith.constant 0 : i32
          %dma_wait3A_269 = arith.constant 0 : i32
          %dma_wait3A_270 = tpu.memref_slice %run_scoped3A[%rem3A_267, %dma_wait3A_268, %dma_wait3A_269] : memref<2x1x128xi32, #tpu.memory_space<vmem>> -> memref<1x1x128xi32, #tpu.memory_space<vmem>>
          %dma_wait3A_271 = tpu.memref_squeeze %dma_wait3A_270 : memref<1x1x128xi32, #tpu.memory_space<vmem>> -> memref<1x128xi32, #tpu.memory_space<vmem>>
          %dma_wait3A_272 = arith.constant 0 : i32
          %dma_wait3A_273 = tpu.memref_slice %arg3[%dma_wait3A_272, %mul3A_265] : memref<1x16384xi32, #tpu.memory_space<hbm>> -> memref<1x128xi32, #tpu.memory_space<hbm>>
          %dma_wait3A_274 = tpu.memref_slice %run_scoped3A_7[%rem3A_267] : memref<2x!tpu.dma_semaphore, #tpu.memory_space<semaphore_mem>> -> memref<1x!tpu.dma_semaphore, #tpu.memory_space<semaphore_mem>>
          %dma_wait3A_275 = tpu.memref_squeeze %dma_wait3A_274 : memref<1x!tpu.dma_semaphore, #tpu.memory_space<semaphore_mem>> -> memref<!tpu.dma_semaphore, #tpu.memory_space<semaphore_mem>>
          %dma_wait3A_276 = arith.constant 0 : i32
          %dma_wait3A_277 = arith.constant 0 : i32
          %dma_wait3A_278 = tpu.memref_slice %run_scoped3A[%rem3A_267, %dma_wait3A_276, %dma_wait3A_277] : memref<2x1x128xi32, #tpu.memory_space<vmem>> -> memref<1x1x128xi32, #tpu.memory_space<vmem>>
          %dma_wait3A_279 = tpu.memref_squeeze %dma_wait3A_278 : memref<1x1x128xi32, #tpu.memory_space<vmem>> -> memref<1x128xi32, #tpu.memory_space<vmem>>
          %dma_wait3A_280 = arith.constant 0 : i32
          %dma_wait3A_281 = tpu.memref_slice %arg3[%dma_wait3A_280, %mul3A_265] : memref<1x16384xi32, #tpu.memory_space<hbm>> -> memref<1x128xi32, #tpu.memory_space<hbm>>
          tpu.wait_dma2 semaphore(%dma_wait3A_275 : memref<!tpu.dma_semaphore, #tpu.memory_space<semaphore_mem>>) src(%dma_wait3A_281 : memref<1x128xi32, #tpu.memory_space<hbm>>) dst(%dma_wait3A_279 : memref<1x128xi32, #tpu.memory_space<vmem>>)
          "tpu.trace_stop"() : () -> ()
        } else {
        }
        %ne3A_185 = arith.cmpi ne, %add3A_131, %add3A_140 : i32
        %or3A_186 = arith.constant false
        %or3A_187 = arith.ori %or3A_186, %ne3A_185 : i1
        %or3A_188 = arith.constant false
        %or3A_189 = arith.ori %or3A_187, %or3A_188 : i1
        %or3A_190 = arith.ori %or3A_189, %eq3A_128 : i1
        %convert_element_type3A_191 = arith.extui %or3A_190 : i1 to i32
        %cond3A_192 = arith.constant 0 : i32
        %cond3A_193 = arith.cmpi ne, %convert_element_type3A_191, %cond3A_192 : i32
        scf.if %cond3A_193 {
        } else {
        }
        %rem3A_194 = arith.constant 2 : i32
        %rem3A_195 = arith.remui %scan3A_123, %rem3A_194 : i32
        %rem3A_196 = arith.constant 2 : i32
        %rem3A_197 = arith.remui %scan3A_124, %rem3A_196 : i32
        %run_scoped3A_198 = arith.constant 0 : i32
        "tpu.trace_start"() <{level = 10 : i32, message = "ep_run_kernel"}> : () -> ()
        "tpu.region"() ({
          %run_scoped3A_264 = tpu.sem_alloc : memref<!tpu.dma_semaphore, #tpu.memory_space<semaphore_mem>>
          %dma_start3A_265 = arith.constant 0 : i32
          %dma_start3A_266 = arith.constant 0 : i32
          %dma_start3A_267 = tpu.memref_slice %run_scoped3A_8[%rem3A_197, %dma_start3A_265, %dma_start3A_266] : memref<2x128x256xf32, #tpu.memory_space<vmem>> -> memref<1x128x256xf32, #tpu.memory_space<vmem>>
          %dma_start3A_268 = tpu.memref_squeeze %dma_start3A_267 : memref<1x128x256xf32, #tpu.memory_space<vmem>> -> memref<128x256xf32, #tpu.memory_space<vmem>>
          %dma_start3A_269 = arith.constant 0 : i32
          %dma_start3A_270 = arith.constant 0 : i32
          %dma_start3A_271 = tpu.memref_slice %run_scoped3A[%rem3A_195, %dma_start3A_269, %dma_start3A_270] : memref<2x1x128xi32, #tpu.memory_space<vmem>> -> memref<1x1x128xi32, #tpu.memory_space<vmem>>
          %dma_start3A_272 = tpu.memref_squeeze %dma_start3A_271 : memref<1x1x128xi32, #tpu.memory_space<vmem>> -> memref<1x128xi32, #tpu.memory_space<vmem>>
          %dma_start3A_273 = arith.constant 0 : i32
          %dma_start3A_274 = tpu.memref_slice %dma_start3A_272[%run_scoped3A_198, %dma_start3A_273] : memref<1x128xi32, #tpu.memory_space<vmem>> -> memref<1x128xi32, #tpu.memory_space<vmem>>
          %dma_start3A_275 = tpu.memref_squeeze %dma_start3A_274 : memref<1x128xi32, #tpu.memory_space<vmem>> -> memref<128xi32, #tpu.memory_space<vmem>>
          %dma_start3A_276 = arith.constant 0 : i32
          %dma_start3A_277 = arith.constant 0 : i32
          %dma_start3A_278 = tpu.memref_slice %arg2[%dma_start3A_276, %dma_start3A_277] : memref<8192x256xf32, #tpu.memory_space<hbm>> -> memref<8192x256xf32, #tpu.memory_space<hbm>>
          tpu.enqueue_indirect_dma source(%dma_start3A_278 : memref<8192x256xf32, #tpu.memory_space<hbm>>) target(%dma_start3A_268 : memref<128x256xf32, #tpu.memory_space<vmem>>) offsets(%dma_start3A_275 : memref<128xi32, #tpu.memory_space<vmem>>) semaphore(%run_scoped3A_264 : memref<!tpu.dma_semaphore, #tpu.memory_space<semaphore_mem>>)
          %dma_wait3A_279 = arith.constant 0 : i32
          %dma_wait3A_280 = arith.constant 0 : i32
          %dma_wait3A_281 = tpu.memref_slice %run_scoped3A_8[%rem3A_197, %dma_wait3A_279, %dma_wait3A_280] : memref<2x128x256xf32, #tpu.memory_space<vmem>> -> memref<1x128x256xf32, #tpu.memory_space<vmem>>
          %dma_wait3A_282 = tpu.memref_squeeze %dma_wait3A_281 : memref<1x128x256xf32, #tpu.memory_space<vmem>> -> memref<128x256xf32, #tpu.memory_space<vmem>>
          %dma_wait3A_283 = arith.constant 0 : i32
          %dma_wait3A_284 = arith.constant 0 : i32
          %dma_wait3A_285 = tpu.memref_slice %run_scoped3A[%rem3A_195, %dma_wait3A_283, %dma_wait3A_284] : memref<2x1x128xi32, #tpu.memory_space<vmem>> -> memref<1x1x128xi32, #tpu.memory_space<vmem>>
          %dma_wait3A_286 = tpu.memref_squeeze %dma_wait3A_285 : memref<1x1x128xi32, #tpu.memory_space<vmem>> -> memref<1x128xi32, #tpu.memory_space<vmem>>
          %dma_wait3A_287 = arith.constant 0 : i32
          %dma_wait3A_288 = tpu.memref_slice %dma_wait3A_286[%run_scoped3A_198, %dma_wait3A_287] : memref<1x128xi32, #tpu.memory_space<vmem>> -> memref<1x128xi32, #tpu.memory_space<vmem>>
          %dma_wait3A_289 = tpu.memref_squeeze %dma_wait3A_288 : memref<1x128xi32, #tpu.memory_space<vmem>> -> memref<128xi32, #tpu.memory_space<vmem>>
          %dma_wait3A_290 = arith.constant 0 : i32
          %dma_wait3A_291 = arith.constant 0 : i32
          %dma_wait3A_292 = tpu.memref_slice %arg2[%dma_wait3A_290, %dma_wait3A_291] : memref<8192x256xf32, #tpu.memory_space<hbm>> -> memref<8192x256xf32, #tpu.memory_space<hbm>>
          tpu.wait_indirect_dma semaphore(%run_scoped3A_264 : memref<!tpu.dma_semaphore, #tpu.memory_space<semaphore_mem>>) src(%dma_wait3A_292 : memref<8192x256xf32, #tpu.memory_space<hbm>>) dst(%dma_wait3A_282 : memref<128x256xf32, #tpu.memory_space<vmem>>)
          tpu.yield
        }) : () -> ()
        "tpu.trace_stop"() : () -> ()
        %ne3A_199 = arith.cmpi ne, %add3A_131, %add3A_149 : i32
        %or3A_200 = arith.constant false
        %or3A_201 = arith.ori %or3A_200, %ne3A_199 : i1
        %or3A_202 = arith.ori %or3A_201, %eq3A_130 : i1
        %convert_element_type3A_203 = arith.extui %or3A_202 : i1 to i32
        %cond3A_204 = arith.constant 0 : i32
        %cond3A_205 = arith.cmpi ne, %convert_element_type3A_203, %cond3A_204 : i32
        scf.if %cond3A_205 {
        } else {
        }
        %and3A_206 = arith.constant false
        %and3A_207 = arith.andi %or3A_202, %and3A_206 : i1
        %ne3A_208 = arith.cmpi ne, %add3A_131, %add3A_149 : i32
        %or3A_209 = arith.constant false
        %or3A_210 = arith.ori %or3A_209, %ne3A_208 : i1
        %or3A_211 = arith.constant false
        %or3A_212 = arith.ori %or3A_210, %or3A_211 : i1
        %or3A_213 = arith.ori %or3A_212, %eq3A_130 : i1
        %convert_element_type3A_214 = arith.extui %or3A_213 : i1 to i32
        %cond3A_215 = arith.constant 0 : i32
        %cond3A_216 = arith.cmpi ne, %convert_element_type3A_214, %cond3A_215 : i32
        scf.if %cond3A_216 {
          "tpu.trace_start"() <{level = 10 : i32, message = "ep_copy_out"}> : () -> ()
          %rem3A_264 = arith.constant 2 : i32
          %rem3A_265 = arith.remui %scan3A_124, %rem3A_264 : i32
          %mul3A_266 = arith.constant 128 : i32
          %mul3A_267 = arith.muli %mul3A_266, %add3A_131 : i32
          %dma_start3A_268 = arith.constant 0 : i32
          %dma_start3A_269 = arith.constant 0 : i32
          %dma_start3A_270 = tpu.memref_slice %run_scoped3A_8[%rem3A_265, %dma_start3A_268, %dma_start3A_269] : memref<2x128x256xf32, #tpu.memory_space<vmem>> -> memref<1x128x256xf32, #tpu.memory_space<vmem>>
          %dma_start3A_271 = tpu.memref_squeeze %dma_start3A_270 : memref<1x128x256xf32, #tpu.memory_space<vmem>> -> memref<128x256xf32, #tpu.memory_space<vmem>>
          %dma_start3A_272 = arith.constant 0 : i32
          %dma_start3A_273 = tpu.memref_slice %arg4[%mul3A_267, %dma_start3A_272] : memref<16384x256xf32, #tpu.memory_space<hbm>> -> memref<128x256xf32, #tpu.memory_space<hbm>>
          %dma_start3A_274 = tpu.memref_slice %run_scoped3A_9[%rem3A_265] : memref<2x!tpu.dma_semaphore, #tpu.memory_space<semaphore_mem>> -> memref<1x!tpu.dma_semaphore, #tpu.memory_space<semaphore_mem>>
          %dma_start3A_275 = tpu.memref_squeeze %dma_start3A_274 : memref<1x!tpu.dma_semaphore, #tpu.memory_space<semaphore_mem>> -> memref<!tpu.dma_semaphore, #tpu.memory_space<semaphore_mem>>
          %dma_start3A_276 = arith.constant 0 : i32
          %dma_start3A_277 = tpu.memref_slice %arg4[%mul3A_267, %dma_start3A_276] : memref<16384x256xf32, #tpu.memory_space<hbm>> -> memref<128x256xf32, #tpu.memory_space<hbm>>
          %dma_start3A_278 = arith.constant 0 : i32
          %dma_start3A_279 = arith.constant 0 : i32
          %dma_start3A_280 = tpu.memref_slice %run_scoped3A_8[%rem3A_265, %dma_start3A_278, %dma_start3A_279] : memref<2x128x256xf32, #tpu.memory_space<vmem>> -> memref<1x128x256xf32, #tpu.memory_space<vmem>>
          %dma_start3A_281 = tpu.memref_squeeze %dma_start3A_280 : memref<1x128x256xf32, #tpu.memory_space<vmem>> -> memref<128x256xf32, #tpu.memory_space<vmem>>
          tpu.enqueue_dma source(%dma_start3A_281 : memref<128x256xf32, #tpu.memory_space<vmem>>) target(%dma_start3A_277 : memref<128x256xf32, #tpu.memory_space<hbm>>) target_semaphore(%dma_start3A_275 : memref<!tpu.dma_semaphore, #tpu.memory_space<semaphore_mem>>)
          "tpu.trace_stop"() : () -> ()
        } else {
        }
        %and3A_217 = arith.constant true
        %and3A_218 = arith.andi %or3A_213, %and3A_217 : i1
        %add3A_219 = arith.constant 1 : i32
        %add3A_220 = arith.addi %scan3A_124, %add3A_219 : i32
        %select_n3A_221 = arith.select %and3A_218, %add3A_220, %scan3A_124 : i32
        %ne3A_222 = arith.cmpi ne, %add3A_131, %add3A_140 : i32
        %or3A_223 = arith.constant false
        %or3A_224 = arith.ori %or3A_223, %ne3A_222 : i1
        %not3A_225 = arith.constant true
        %not3A_226 = arith.xori %eq3A_128, %not3A_225 : i1
        %and3A_227 = arith.andi %or3A_224, %not3A_226 : i1
        %convert_element_type3A_228 = arith.extui %and3A_227 : i1 to i32
        %cond3A_229 = arith.constant 0 : i32
        %cond3A_230 = arith.cmpi ne, %convert_element_type3A_228, %cond3A_229 : i32
        scf.if %cond3A_230 {
        } else {
        }
        %and3A_231 = arith.constant false
        %and3A_232 = arith.andi %and3A_227, %and3A_231 : i1
        %ne3A_233 = arith.cmpi ne, %add3A_131, %add3A_140 : i32
        %or3A_234 = arith.constant false
        %or3A_235 = arith.ori %or3A_234, %ne3A_233 : i1
        %or3A_236 = arith.constant false
        %or3A_237 = arith.ori %or3A_235, %or3A_236 : i1
        %not3A_238 = arith.constant true
        %not3A_239 = arith.xori %eq3A_128, %not3A_238 : i1
        %and3A_240 = arith.andi %or3A_237, %not3A_239 : i1
        %convert_element_type3A_241 = arith.extui %and3A_240 : i1 to i32
        %cond3A_242 = arith.constant 0 : i32
        %cond3A_243 = arith.cmpi ne, %convert_element_type3A_241, %cond3A_242 : i32
        scf.if %cond3A_243 {
          "tpu.trace_start"() <{level = 10 : i32, message = "ep_wait_out"}> : () -> ()
          %rem3A_264 = arith.constant 2 : i32
          %rem3A_265 = arith.remui %scan3A_125, %rem3A_264 : i32
          %mul3A_266 = arith.constant 128 : i32
          %mul3A_267 = arith.muli %mul3A_266, %add3A_140 : i32
          %dma_wait3A_268 = arith.constant 0 : i32
          %dma_wait3A_269 = arith.constant 0 : i32
          %dma_wait3A_270 = tpu.memref_slice %run_scoped3A_8[%rem3A_265, %dma_wait3A_268, %dma_wait3A_269] : memref<2x128x256xf32, #tpu.memory_space<vmem>> -> memref<1x128x256xf32, #tpu.memory_space<vmem>>
          %dma_wait3A_271 = tpu.memref_squeeze %dma_wait3A_270 : memref<1x128x256xf32, #tpu.memory_space<vmem>> -> memref<128x256xf32, #tpu.memory_space<vmem>>
          %dma_wait3A_272 = arith.constant 0 : i32
          %dma_wait3A_273 = tpu.memref_slice %arg4[%mul3A_267, %dma_wait3A_272] : memref<16384x256xf32, #tpu.memory_space<hbm>> -> memref<128x256xf32, #tpu.memory_space<hbm>>
          %dma_wait3A_274 = tpu.memref_slice %run_scoped3A_9[%rem3A_265] : memref<2x!tpu.dma_semaphore, #tpu.memory_space<semaphore_mem>> -> memref<1x!tpu.dma_semaphore, #tpu.memory_space<semaphore_mem>>
          %dma_wait3A_275 = tpu.memref_squeeze %dma_wait3A_274 : memref<1x!tpu.dma_semaphore, #tpu.memory_space<semaphore_mem>> -> memref<!tpu.dma_semaphore, #tpu.memory_space<semaphore_mem>>
          %dma_wait3A_276 = arith.constant 0 : i32
          %dma_wait3A_277 = tpu.memref_slice %arg4[%mul3A_267, %dma_wait3A_276] : memref<16384x256xf32, #tpu.memory_space<hbm>> -> memref<128x256xf32, #tpu.memory_space<hbm>>
          %dma_wait3A_278 = arith.constant 0 : i32
          %dma_wait3A_279 = arith.constant 0 : i32
          %dma_wait3A_280 = tpu.memref_slice %run_scoped3A_8[%rem3A_265, %dma_wait3A_278, %dma_wait3A_279] : memref<2x128x256xf32, #tpu.memory_space<vmem>> -> memref<1x128x256xf32, #tpu.memory_space<vmem>>
          %dma_wait3A_281 = tpu.memref_squeeze %dma_wait3A_280 : memref<1x128x256xf32, #tpu.memory_space<vmem>> -> memref<128x256xf32, #tpu.memory_space<vmem>>
          tpu.wait_dma2 semaphore(%dma_wait3A_275 : memref<!tpu.dma_semaphore, #tpu.memory_space<semaphore_mem>>) src(%dma_wait3A_281 : memref<128x256xf32, #tpu.memory_space<vmem>>) dst(%dma_wait3A_277 : memref<128x256xf32, #tpu.memory_space<hbm>>)
          "tpu.trace_stop"() : () -> ()
        } else {
        }
        %and3A_244 = arith.constant true
        %and3A_245 = arith.andi %and3A_240, %and3A_244 : i1
        %add3A_246 = arith.constant 1 : i32
        %add3A_247 = arith.addi %scan3A_125, %add3A_246 : i32
        %select_n3A_248 = arith.select %and3A_245, %add3A_247, %scan3A_125 : i32
        %ne3A_249 = arith.cmpi ne, %add3A_131, %add3A_149 : i32
        %or3A_250 = arith.constant false
        %or3A_251 = arith.ori %or3A_250, %ne3A_249 : i1
        %or3A_252 = arith.ori %or3A_251, %eq3A_130 : i1
        %add3A_253 = arith.constant 1 : i32
        %add3A_254 = arith.addi %scan3A_123, %add3A_253 : i32
        %select_n3A_255 = arith.select %or3A_252, %add3A_254, %scan3A_123 : i32
        %add3A_256 = arith.constant 1 : i32
        %add3A_257 = arith.addi %scan3A_126, %add3A_256 : i32
        %select_n3A_258 = arith.constant true
        %select_n3A_259 = arith.select %select_n3A_258, %add3A_257, %scan3A_126 : i32
        %eq3A_260 = arith.constant 4 : i32
        %eq3A_261 = arith.cmpi eq, %select_n3A_259, %eq3A_260 : i32
        %select_n3A_262 = arith.constant 0 : i32
        %select_n3A_263 = arith.select %eq3A_261, %select_n3A_262, %select_n3A_259 : i32
        scf.yield %select_n3A_167, %select_n3A_255, %select_n3A_221, %select_n3A_248, %select_n3A_263 : i32, i32, i32, i32, i32
      }
      %scan3A_68 = arith.constant 4 : i32
      %sub3A = arith.constant 1 : i32
      %sub3A_69 = arith.subi %scan3A_67#4, %sub3A : i32
      %select_n3A_70 = arith.constant true
      %select_n3A_71 = arith.select %select_n3A_70, %sub3A_69, %scan3A_67#4 : i32
      %eq3A_72 = arith.constant -1 : i32
      %eq3A_73 = arith.cmpi eq, %select_n3A_71, %eq3A_72 : i32
      %select_n3A_74 = arith.constant 3 : i32
      %select_n3A_75 = arith.select %eq3A_73, %select_n3A_74, %select_n3A_71 : i32
      %add3A_76 = arith.addi %select_n3A_75, %mul3A_6 : i32
      %sub3A_77 = arith.constant 1 : i32
      %sub3A_78 = arith.subi %select_n3A_75, %sub3A_77 : i32
      %select_n3A_79 = arith.constant true
      %select_n3A_80 = arith.select %select_n3A_79, %sub3A_78, %select_n3A_75 : i32
      %eq3A_81 = arith.constant -1 : i32
      %eq3A_82 = arith.cmpi eq, %select_n3A_80, %eq3A_81 : i32
      %select_n3A_83 = arith.constant 3 : i32
      %select_n3A_84 = arith.select %eq3A_82, %select_n3A_83, %select_n3A_80 : i32
      %add3A_85 = arith.addi %select_n3A_84, %mul3A_6 : i32
      %add3A_86 = arith.constant 1 : i32
      %add3A_87 = arith.addi %select_n3A_75, %add3A_86 : i32
      %select_n3A_88 = arith.constant true
      %select_n3A_89 = arith.select %select_n3A_88, %add3A_87, %select_n3A_75 : i32
      %eq3A_90 = arith.constant 4 : i32
      %eq3A_91 = arith.cmpi eq, %select_n3A_89, %eq3A_90 : i32
      %select_n3A_92 = arith.constant 0 : i32
      %select_n3A_93 = arith.select %eq3A_91, %select_n3A_92, %select_n3A_89 : i32
      %add3A_94 = arith.addi %select_n3A_93, %mul3A_6 : i32
      %add3A_95 = arith.constant 1 : i32
      %add3A_96 = arith.addi %select_n3A_93, %add3A_95 : i32
      %select_n3A_97 = arith.constant true
      %select_n3A_98 = arith.select %select_n3A_97, %add3A_96, %select_n3A_93 : i32
      %eq3A_99 = arith.constant 4 : i32
      %eq3A_100 = arith.cmpi eq, %select_n3A_98, %eq3A_99 : i32
      %select_n3A_101 = arith.constant 0 : i32
      %select_n3A_102 = arith.select %eq3A_100, %select_n3A_101, %select_n3A_98 : i32
      %add3A_103 = arith.addi %select_n3A_102, %mul3A_6 : i32
      "tpu.trace_start"() <{level = 10 : i32, message = "ep_finalize"}> : () -> ()
      %rem3A_104 = arith.constant 2 : i32
      %rem3A_105 = arith.remui %scan3A_67#3, %rem3A_104 : i32
      %mul3A_106 = arith.constant 128 : i32
      %mul3A_107 = arith.muli %mul3A_106, %add3A_76 : i32
      %dma_wait3A = arith.constant 0 : i32
      %dma_wait3A_108 = arith.constant 0 : i32
      %dma_wait3A_109 = tpu.memref_slice %run_scoped3A_8[%rem3A_105, %dma_wait3A, %dma_wait3A_108] : memref<2x128x256xf32, #tpu.memory_space<vmem>> -> memref<1x128x256xf32, #tpu.memory_space<vmem>>
      %dma_wait3A_110 = tpu.memref_squeeze %dma_wait3A_109 : memref<1x128x256xf32, #tpu.memory_space<vmem>> -> memref<128x256xf32, #tpu.memory_space<vmem>>
      %dma_wait3A_111 = arith.constant 0 : i32
      %dma_wait3A_112 = tpu.memref_slice %arg4[%mul3A_107, %dma_wait3A_111] : memref<16384x256xf32, #tpu.memory_space<hbm>> -> memref<128x256xf32, #tpu.memory_space<hbm>>
      %dma_wait3A_113 = tpu.memref_slice %run_scoped3A_9[%rem3A_105] : memref<2x!tpu.dma_semaphore, #tpu.memory_space<semaphore_mem>> -> memref<1x!tpu.dma_semaphore, #tpu.memory_space<semaphore_mem>>
      %dma_wait3A_114 = tpu.memref_squeeze %dma_wait3A_113 : memref<1x!tpu.dma_semaphore, #tpu.memory_space<semaphore_mem>> -> memref<!tpu.dma_semaphore, #tpu.memory_space<semaphore_mem>>
      %dma_wait3A_115 = arith.constant 0 : i32
      %dma_wait3A_116 = tpu.memref_slice %arg4[%mul3A_107, %dma_wait3A_115] : memref<16384x256xf32, #tpu.memory_space<hbm>> -> memref<128x256xf32, #tpu.memory_space<hbm>>
      %dma_wait3A_117 = arith.constant 0 : i32
      %dma_wait3A_118 = arith.constant 0 : i32
      %dma_wait3A_119 = tpu.memref_slice %run_scoped3A_8[%rem3A_105, %dma_wait3A_117, %dma_wait3A_118] : memref<2x128x256xf32, #tpu.memory_space<vmem>> -> memref<1x128x256xf32, #tpu.memory_space<vmem>>
      %dma_wait3A_120 = tpu.memref_squeeze %dma_wait3A_119 : memref<1x128x256xf32, #tpu.memory_space<vmem>> -> memref<128x256xf32, #tpu.memory_space<vmem>>
      tpu.wait_dma2 semaphore(%dma_wait3A_114 : memref<!tpu.dma_semaphore, #tpu.memory_space<semaphore_mem>>) src(%dma_wait3A_120 : memref<128x256xf32, #tpu.memory_space<vmem>>) dst(%dma_wait3A_116 : memref<128x256xf32, #tpu.memory_space<hbm>>)
      "tpu.trace_stop"() : () -> ()
      tpu.yield
    }) : () -> ()
    return
  }
}

module attributes {stable_mosaic.version = 14 : i64} {
  func.func @_codebook_body(%arg0: i32, %arg1: memref<256x256xf32, #tpu.memory_space<vmem>>, %arg2: memref<256x256xf32, #tpu.memory_space<vmem>>, %arg3: memref<1024x256xf32, #tpu.memory_space<vmem>>, %arg4: memref<256x1024xf32, #tpu.memory_space<vmem>>, %arg5: memref<1024x256xf32, #tpu.memory_space<vmem>>, %arg6: memref<256x1024xbf16, #tpu.memory_space<vmem>>) attributes {dimension_semantics = [#tpu.dimension_semantics<arbitrary>], iteration_bounds = array<i64: 8>, scalar_prefetch = 0 : i64, scratch_operands = 0 : i64, tpu.core_type = #tpu.core_type<tc>, window_params = [{pipeline_mode = #tpu.pipeline_mode<synchronous>, transform_indices = @transform_0, window_bounds = array<i64: 256, 256>}, {pipeline_mode = #tpu.pipeline_mode<synchronous>, transform_indices = @transform_1, window_bounds = array<i64: 256, 256>}, {transform_indices = @transform_2, window_bounds = array<i64: 1024, 256>}, {transform_indices = @transform_3, window_bounds = array<i64: 256, 1024>}, {transform_indices = @transform_4, window_bounds = array<i64: 1024, 256>}, {transform_indices = @transform_5, window_bounds = array<i64: 256, 1024>}]} {
    %get3A = arith.constant 0 : index
    %get3A_0 = arith.constant 0 : index
    %get3A_1 = vector.load %arg3[%get3A, %get3A_0] : memref<1024x256xf32, #tpu.memory_space<vmem>>, vector<1024x256xf32>
    %get3A_2 = arith.constant 0 : index
    %get3A_3 = arith.constant 0 : index
    %get3A_4 = vector.load %arg2[%get3A_2, %get3A_3] : memref<256x256xf32, #tpu.memory_space<vmem>>, vector<256x256xf32>
    %dot_general3A = arith.constant dense<0.000000e+00> : vector<1024x256xf32>
    %dot_general3A_5 = tpu.matmul %get3A_1, %get3A_4, %dot_general3A {dimension_numbers = #tpu.dot_dimension_numbers<[1], [0], [0], [1], [0, 0, 1, 1], [], []>, transpose_lhs_hint = false} : vector<1024x256xf32>, vector<256x256xf32>, vector<1024x256xf32> -> vector<1024x256xf32>
    %swap3A = arith.constant 0 : index
    %swap3A_6 = arith.constant 0 : index
    %swap3A_7 = vector.load %arg5[%swap3A, %swap3A_6] : memref<1024x256xf32, #tpu.memory_space<vmem>>, vector<1024x256xf32>
    tpu.vector_store %arg5[%swap3A, %swap3A_6], %dot_general3A_5 {strides = array<i32>} : memref<1024x256xf32, #tpu.memory_space<vmem>>, vector<1024x256xf32>,
    %get3A_8 = arith.constant 0 : index
    %get3A_9 = arith.constant 0 : index
    %get3A_10 = vector.load %arg1[%get3A_8, %get3A_9] : memref<256x256xf32, #tpu.memory_space<vmem>>, vector<256x256xf32>
    %get3A_11 = arith.constant 0 : index
    %get3A_12 = arith.constant 0 : index
    %get3A_13 = vector.load %arg4[%get3A_11, %get3A_12] : memref<256x1024xf32, #tpu.memory_space<vmem>>, vector<256x1024xf32>
    %dot_general3A_14 = arith.constant dense<0.000000e+00> : vector<256x1024xf32>
    %dot_general3A_15 = tpu.matmul %get3A_10, %get3A_13, %dot_general3A_14 {dimension_numbers = #tpu.dot_dimension_numbers<[1], [0], [0], [1], [0, 0, 1, 1], [], []>, transpose_lhs_hint = false} : vector<256x256xf32>, vector<256x1024xf32>, vector<256x1024xf32> -> vector<256x1024xf32>
    %add3A = arith.addf %dot_general3A_15, %dot_general3A_15 : vector<256x1024xf32>
    %convert_element_type3A = arith.truncf %add3A : vector<256x1024xf32> to vector<256x1024xbf16>
    %swap3A_16 = arith.constant 0 : index
    %swap3A_17 = arith.constant 0 : index
    %swap3A_18 = vector.load %arg6[%swap3A_16, %swap3A_17] : memref<256x1024xbf16, #tpu.memory_space<vmem>>, vector<256x1024xbf16>
    tpu.vector_store %arg6[%swap3A_16, %swap3A_17], %convert_element_type3A {strides = array<i32>} : memref<256x1024xbf16, #tpu.memory_space<vmem>>, vector<256x1024xbf16>,
    return
  }
  func.func @transform_0(%arg0: i32) -> (i32, i32) {
    %c0_i32 = arith.constant 0 : i32
    %c0_i32_0 = arith.constant 0 : i32
    %c0_i32_1 = arith.constant 0 : i32
    return %c0_i32, %c0_i32_0 : i32, i32
  }
  func.func @transform_1(%arg0: i32) -> (i32, i32) {
    %c0_i32 = arith.constant 0 : i32
    %c0_i32_0 = arith.constant 0 : i32
    %c0_i32_1 = arith.constant 0 : i32
    return %c0_i32, %c0_i32_0 : i32, i32
  }
  func.func @transform_2(%arg0: i32) -> (i32, i32) {
    %c0_i32 = arith.constant 0 : i32
    %c0_i32_0 = arith.constant 0 : i32
    return %arg0, %c0_i32 : i32, i32
  }
  func.func @transform_3(%arg0: i32) -> (i32, i32) {
    %c0_i32 = arith.constant 0 : i32
    %c0_i32_0 = arith.constant 0 : i32
    return %c0_i32, %arg0 : i32, i32
  }
  func.func @transform_4(%arg0: i32) -> (i32, i32) {
    %c0_i32 = arith.constant 0 : i32
    %c0_i32_0 = arith.constant 0 : i32
    return %arg0, %c0_i32 : i32, i32
  }
  func.func @transform_5(%arg0: i32) -> (i32, i32) {
    %c0_i32 = arith.constant 0 : i32
    %c0_i32_0 = arith.constant 0 : i32
    return %c0_i32, %arg0 : i32, i32
  }
}

module attributes {stable_mosaic.version = 14 : i64} {
  func.func @_argmin_body(%arg0: i32, %arg1: memref<512x256xf32, #tpu.memory_space<vmem>>, %arg2: memref<512x1xf32, #tpu.memory_space<vmem>>, %arg3: memref<256x8192xbf16, #tpu.memory_space<vmem>>, %arg4: memref<1x8192xf32, #tpu.memory_space<vmem>>, %arg5: memref<512x1xi32, #tpu.memory_space<vmem>>, %arg6: memref<512x8192xf32, #tpu.memory_space<vmem>>) attributes {dimension_semantics = [#tpu.dimension_semantics<arbitrary>], iteration_bounds = array<i64: 32>, scalar_prefetch = 0 : i64, scratch_operands = 1 : i64, tpu.core_type = #tpu.core_type<tc>, window_params = [{transform_indices = @transform_0, window_bounds = array<i64: 512, 256>}, {transform_indices = @transform_1, window_bounds = array<i64: 512, 1>}, {pipeline_mode = #tpu.pipeline_mode<synchronous>, transform_indices = @transform_2, window_bounds = array<i64: 256, 8192>}, {pipeline_mode = #tpu.pipeline_mode<synchronous>, transform_indices = @transform_3, window_bounds = array<i64: 1, 8192>}, {transform_indices = @transform_4, window_bounds = array<i64: 512, 1>}]} {
    %get3A = arith.constant 0 : index
    %get3A_0 = arith.constant 0 : index
    %get3A_1 = vector.load %arg1[%get3A, %get3A_0] : memref<512x256xf32, #tpu.memory_space<vmem>>, vector<512x256xf32>
    %convert_element_type3A = arith.truncf %get3A_1 : vector<512x256xf32> to vector<512x256xbf16>
    %get3A_2 = arith.constant 0 : index
    %get3A_3 = arith.constant 0 : index
    %get3A_4 = vector.load %arg2[%get3A_2, %get3A_3] : memref<512x1xf32, #tpu.memory_space<vmem>>, vector<512x1xf32>
    %broadcast_in_dim3A = arith.constant 0x7F800000 : f32
    %broadcast_in_dim3A_5 = vector.broadcast %broadcast_in_dim3A : f32 to vector<512x1xf32>
    %get3A_6 = arith.constant 0 : index
    %get3A_7 = arith.constant 0 : index
    %get3A_8 = vector.load %arg3[%get3A_6, %get3A_7] : memref<256x8192xbf16, #tpu.memory_space<vmem>>, vector<256x512xbf16>
    %dot_general3A = arith.constant dense<0.000000e+00> : vector<512x512xf32>
    %dot_general3A_9 = tpu.matmul %convert_element_type3A, %get3A_8, %dot_general3A {dimension_numbers = #tpu.dot_dimension_numbers<[1], [0], [0], [1], [0, 0, 1, 1], [], []>, transpose_lhs_hint = false} : vector<512x256xbf16>, vector<256x512xbf16>, vector<512x512xf32> -> vector<512x512xf32>
    %sub3A = vector.broadcast %get3A_4 : vector<512x1xf32> to vector<512x512xf32>
    %sub3A_10 = arith.subf %sub3A, %dot_general3A_9 : vector<512x512xf32>
    %get3A_11 = arith.constant 0 : index
    %get3A_12 = arith.constant 0 : index
    %get3A_13 = vector.load %arg4[%get3A_11, %get3A_12] : memref<1x8192xf32, #tpu.memory_space<vmem>>, vector<1x512xf32>
    %add3A = vector.broadcast %get3A_13 : vector<1x512xf32> to vector<512x512xf32>
    %add3A_14 = arith.addf %sub3A_10, %add3A : vector<512x512xf32>
    %max3A = arith.constant 0.000000e+00 : f32
    %max3A_15 = vector.broadcast %max3A : f32 to vector<512x512xf32>
    %max3A_16 = arith.maximumf %add3A_14, %max3A_15 : vector<512x512xf32>
    %swap3A = arith.constant 0 : index
    %swap3A_17 = arith.constant 0 : index
    %swap3A_18 = vector.load %arg6[%swap3A, %swap3A_17] : memref<512x8192xf32, #tpu.memory_space<vmem>>, vector<512x512xf32>
    tpu.vector_store %arg6[%swap3A, %swap3A_17], %max3A_16 {strides = array<i32>} : memref<512x8192xf32, #tpu.memory_space<vmem>>, vector<512x512xf32>,
    %reduce_min3A = arith.constant dense<0x7F800000> : vector<512xf32>
    %reduce_min3A_19 = vector.multi_reduction <minimumf>, %max3A_16, %reduce_min3A [1] : vector<512x512xf32> to vector<512xf32>
    %broadcast_in_dim3A_20 = vector.shape_cast %reduce_min3A_19 : vector<512xf32> to vector<512x1xf32>
    %min3A = arith.minimumf %broadcast_in_dim3A_5, %broadcast_in_dim3A_20 : vector<512x1xf32>
    %get3A_21 = arith.constant 0 : index
    %get3A_22 = arith.constant 512 : index
    %get3A_23 = vector.load %arg3[%get3A_21, %get3A_22] : memref<256x8192xbf16, #tpu.memory_space<vmem>>, vector<256x512xbf16>
    %dot_general3A_24 = arith.constant dense<0.000000e+00> : vector<512x512xf32>
    %dot_general3A_25 = tpu.matmul %convert_element_type3A, %get3A_23, %dot_general3A_24 {dimension_numbers = #tpu.dot_dimension_numbers<[1], [0], [0], [1], [0, 0, 1, 1], [], []>, transpose_lhs_hint = false} : vector<512x256xbf16>, vector<256x512xbf16>, vector<512x512xf32> -> vector<512x512xf32>
    %sub3A_26 = vector.broadcast %get3A_4 : vector<512x1xf32> to vector<512x512xf32>
    %sub3A_27 = arith.subf %sub3A_26, %dot_general3A_25 : vector<512x512xf32>
    %get3A_28 = arith.constant 0 : index
    %get3A_29 = arith.constant 512 : index
    %get3A_30 = vector.load %arg4[%get3A_28, %get3A_29] : memref<1x8192xf32, #tpu.memory_space<vmem>>, vector<1x512xf32>
    %add3A_31 = vector.broadcast %get3A_30 : vector<1x512xf32> to vector<512x512xf32>
    %add3A_32 = arith.addf %sub3A_27, %add3A_31 : vector<512x512xf32>
    %max3A_33 = arith.constant 0.000000e+00 : f32
    %max3A_34 = vector.broadcast %max3A_33 : f32 to vector<512x512xf32>
    %max3A_35 = arith.maximumf %add3A_32, %max3A_34 : vector<512x512xf32>
    %swap3A_36 = arith.constant 0 : index
    %swap3A_37 = arith.constant 512 : index
    %swap3A_38 = vector.load %arg6[%swap3A_36, %swap3A_37] : memref<512x8192xf32, #tpu.memory_space<vmem>>, vector<512x512xf32>
    tpu.vector_store %arg6[%swap3A_36, %swap3A_37], %max3A_35 {strides = array<i32>} : memref<512x8192xf32, #tpu.memory_space<vmem>>, vector<512x512xf32>,
    %reduce_min3A_39 = arith.constant dense<0x7F800000> : vector<512xf32>
    %reduce_min3A_40 = vector.multi_reduction <minimumf>, %max3A_35, %reduce_min3A_39 [1] : vector<512x512xf32> to vector<512xf32>
    %broadcast_in_dim3A_41 = vector.shape_cast %reduce_min3A_40 : vector<512xf32> to vector<512x1xf32>
    %min3A_42 = arith.minimumf %min3A, %broadcast_in_dim3A_41 : vector<512x1xf32>
    %get3A_43 = arith.constant 0 : index
    %get3A_44 = arith.constant 1024 : index
    %get3A_45 = vector.load %arg3[%get3A_43, %get3A_44] : memref<256x8192xbf16, #tpu.memory_space<vmem>>, vector<256x512xbf16>
    %dot_general3A_46 = arith.constant dense<0.000000e+00> : vector<512x512xf32>
    %dot_general3A_47 = tpu.matmul %convert_element_type3A, %get3A_45, %dot_general3A_46 {dimension_numbers = #tpu.dot_dimension_numbers<[1], [0], [0], [1], [0, 0, 1, 1], [], []>, transpose_lhs_hint = false} : vector<512x256xbf16>, vector<256x512xbf16>, vector<512x512xf32> -> vector<512x512xf32>
    %sub3A_48 = vector.broadcast %get3A_4 : vector<512x1xf32> to vector<512x512xf32>
    %sub3A_49 = arith.subf %sub3A_48, %dot_general3A_47 : vector<512x512xf32>
    %get3A_50 = arith.constant 0 : index
    %get3A_51 = arith.constant 1024 : index
    %get3A_52 = vector.load %arg4[%get3A_50, %get3A_51] : memref<1x8192xf32, #tpu.memory_space<vmem>>, vector<1x512xf32>
    %add3A_53 = vector.broadcast %get3A_52 : vector<1x512xf32> to vector<512x512xf32>
    %add3A_54 = arith.addf %sub3A_49, %add3A_53 : vector<512x512xf32>
    %max3A_55 = arith.constant 0.000000e+00 : f32
    %max3A_56 = vector.broadcast %max3A_55 : f32 to vector<512x512xf32>
    %max3A_57 = arith.maximumf %add3A_54, %max3A_56 : vector<512x512xf32>
    %swap3A_58 = arith.constant 0 : index
    %swap3A_59 = arith.constant 1024 : index
    %swap3A_60 = vector.load %arg6[%swap3A_58, %swap3A_59] : memref<512x8192xf32, #tpu.memory_space<vmem>>, vector<512x512xf32>
    tpu.vector_store %arg6[%swap3A_58, %swap3A_59], %max3A_57 {strides = array<i32>} : memref<512x8192xf32, #tpu.memory_space<vmem>>, vector<512x512xf32>,
    %reduce_min3A_61 = arith.constant dense<0x7F800000> : vector<512xf32>
    %reduce_min3A_62 = vector.multi_reduction <minimumf>, %max3A_57, %reduce_min3A_61 [1] : vector<512x512xf32> to vector<512xf32>
    %broadcast_in_dim3A_63 = vector.shape_cast %reduce_min3A_62 : vector<512xf32> to vector<512x1xf32>
    %min3A_64 = arith.minimumf %min3A_42, %broadcast_in_dim3A_63 : vector<512x1xf32>
    %get3A_65 = arith.constant 0 : index
    %get3A_66 = arith.constant 1536 : index
    %get3A_67 = vector.load %arg3[%get3A_65, %get3A_66] : memref<256x8192xbf16, #tpu.memory_space<vmem>>, vector<256x512xbf16>
    %dot_general3A_68 = arith.constant dense<0.000000e+00> : vector<512x512xf32>
    %dot_general3A_69 = tpu.matmul %convert_element_type3A, %get3A_67, %dot_general3A_68 {dimension_numbers = #tpu.dot_dimension_numbers<[1], [0], [0], [1], [0, 0, 1, 1], [], []>, transpose_lhs_hint = false} : vector<512x256xbf16>, vector<256x512xbf16>, vector<512x512xf32> -> vector<512x512xf32>
    %sub3A_70 = vector.broadcast %get3A_4 : vector<512x1xf32> to vector<512x512xf32>
    %sub3A_71 = arith.subf %sub3A_70, %dot_general3A_69 : vector<512x512xf32>
    %get3A_72 = arith.constant 0 : index
    %get3A_73 = arith.constant 1536 : index
    %get3A_74 = vector.load %arg4[%get3A_72, %get3A_73] : memref<1x8192xf32, #tpu.memory_space<vmem>>, vector<1x512xf32>
    %add3A_75 = vector.broadcast %get3A_74 : vector<1x512xf32> to vector<512x512xf32>
    %add3A_76 = arith.addf %sub3A_71, %add3A_75 : vector<512x512xf32>
    %max3A_77 = arith.constant 0.000000e+00 : f32
    %max3A_78 = vector.broadcast %max3A_77 : f32 to vector<512x512xf32>
    %max3A_79 = arith.maximumf %add3A_76, %max3A_78 : vector<512x512xf32>
    %swap3A_80 = arith.constant 0 : index
    %swap3A_81 = arith.constant 1536 : index
    %swap3A_82 = vector.load %arg6[%swap3A_80, %swap3A_81] : memref<512x8192xf32, #tpu.memory_space<vmem>>, vector<512x512xf32>
    tpu.vector_store %arg6[%swap3A_80, %swap3A_81], %max3A_79 {strides = array<i32>} : memref<512x8192xf32, #tpu.memory_space<vmem>>, vector<512x512xf32>,
    %reduce_min3A_83 = arith.constant dense<0x7F800000> : vector<512xf32>
    %reduce_min3A_84 = vector.multi_reduction <minimumf>, %max3A_79, %reduce_min3A_83 [1] : vector<512x512xf32> to vector<512xf32>
    %broadcast_in_dim3A_85 = vector.shape_cast %reduce_min3A_84 : vector<512xf32> to vector<512x1xf32>
    %min3A_86 = arith.minimumf %min3A_64, %broadcast_in_dim3A_85 : vector<512x1xf32>
    %get3A_87 = arith.constant 0 : index
    %get3A_88 = arith.constant 2048 : index
    %get3A_89 = vector.load %arg3[%get3A_87, %get3A_88] : memref<256x8192xbf16, #tpu.memory_space<vmem>>, vector<256x512xbf16>
    %dot_general3A_90 = arith.constant dense<0.000000e+00> : vector<512x512xf32>
    %dot_general3A_91 = tpu.matmul %convert_element_type3A, %get3A_89, %dot_general3A_90 {dimension_numbers = #tpu.dot_dimension_numbers<[1], [0], [0], [1], [0, 0, 1, 1], [], []>, transpose_lhs_hint = false} : vector<512x256xbf16>, vector<256x512xbf16>, vector<512x512xf32> -> vector<512x512xf32>
    %sub3A_92 = vector.broadcast %get3A_4 : vector<512x1xf32> to vector<512x512xf32>
    %sub3A_93 = arith.subf %sub3A_92, %dot_general3A_91 : vector<512x512xf32>
    %get3A_94 = arith.constant 0 : index
    %get3A_95 = arith.constant 2048 : index
    %get3A_96 = vector.load %arg4[%get3A_94, %get3A_95] : memref<1x8192xf32, #tpu.memory_space<vmem>>, vector<1x512xf32>
    %add3A_97 = vector.broadcast %get3A_96 : vector<1x512xf32> to vector<512x512xf32>
    %add3A_98 = arith.addf %sub3A_93, %add3A_97 : vector<512x512xf32>
    %max3A_99 = arith.constant 0.000000e+00 : f32
    %max3A_100 = vector.broadcast %max3A_99 : f32 to vector<512x512xf32>
    %max3A_101 = arith.maximumf %add3A_98, %max3A_100 : vector<512x512xf32>
    %swap3A_102 = arith.constant 0 : index
    %swap3A_103 = arith.constant 2048 : index
    %swap3A_104 = vector.load %arg6[%swap3A_102, %swap3A_103] : memref<512x8192xf32, #tpu.memory_space<vmem>>, vector<512x512xf32>
    tpu.vector_store %arg6[%swap3A_102, %swap3A_103], %max3A_101 {strides = array<i32>} : memref<512x8192xf32, #tpu.memory_space<vmem>>, vector<512x512xf32>,
    %reduce_min3A_105 = arith.constant dense<0x7F800000> : vector<512xf32>
    %reduce_min3A_106 = vector.multi_reduction <minimumf>, %max3A_101, %reduce_min3A_105 [1] : vector<512x512xf32> to vector<512xf32>
    %broadcast_in_dim3A_107 = vector.shape_cast %reduce_min3A_106 : vector<512xf32> to vector<512x1xf32>
    %min3A_108 = arith.minimumf %min3A_86, %broadcast_in_dim3A_107 : vector<512x1xf32>
    %get3A_109 = arith.constant 0 : index
    %get3A_110 = arith.constant 2560 : index
    %get3A_111 = vector.load %arg3[%get3A_109, %get3A_110] : memref<256x8192xbf16, #tpu.memory_space<vmem>>, vector<256x512xbf16>
    %dot_general3A_112 = arith.constant dense<0.000000e+00> : vector<512x512xf32>
    %dot_general3A_113 = tpu.matmul %convert_element_type3A, %get3A_111, %dot_general3A_112 {dimension_numbers = #tpu.dot_dimension_numbers<[1], [0], [0], [1], [0, 0, 1, 1], [], []>, transpose_lhs_hint = false} : vector<512x256xbf16>, vector<256x512xbf16>, vector<512x512xf32> -> vector<512x512xf32>
    %sub3A_114 = vector.broadcast %get3A_4 : vector<512x1xf32> to vector<512x512xf32>
    %sub3A_115 = arith.subf %sub3A_114, %dot_general3A_113 : vector<512x512xf32>
    %get3A_116 = arith.constant 0 : index
    %get3A_117 = arith.constant 2560 : index
    %get3A_118 = vector.load %arg4[%get3A_116, %get3A_117] : memref<1x8192xf32, #tpu.memory_space<vmem>>, vector<1x512xf32>
    %add3A_119 = vector.broadcast %get3A_118 : vector<1x512xf32> to vector<512x512xf32>
    %add3A_120 = arith.addf %sub3A_115, %add3A_119 : vector<512x512xf32>
    %max3A_121 = arith.constant 0.000000e+00 : f32
    %max3A_122 = vector.broadcast %max3A_121 : f32 to vector<512x512xf32>
    %max3A_123 = arith.maximumf %add3A_120, %max3A_122 : vector<512x512xf32>
    %swap3A_124 = arith.constant 0 : index
    %swap3A_125 = arith.constant 2560 : index
    %swap3A_126 = vector.load %arg6[%swap3A_124, %swap3A_125] : memref<512x8192xf32, #tpu.memory_space<vmem>>, vector<512x512xf32>
    tpu.vector_store %arg6[%swap3A_124, %swap3A_125], %max3A_123 {strides = array<i32>} : memref<512x8192xf32, #tpu.memory_space<vmem>>, vector<512x512xf32>,
    %reduce_min3A_127 = arith.constant dense<0x7F800000> : vector<512xf32>
    %reduce_min3A_128 = vector.multi_reduction <minimumf>, %max3A_123, %reduce_min3A_127 [1] : vector<512x512xf32> to vector<512xf32>
    %broadcast_in_dim3A_129 = vector.shape_cast %reduce_min3A_128 : vector<512xf32> to vector<512x1xf32>
    %min3A_130 = arith.minimumf %min3A_108, %broadcast_in_dim3A_129 : vector<512x1xf32>
    %get3A_131 = arith.constant 0 : index
    %get3A_132 = arith.constant 3072 : index
    %get3A_133 = vector.load %arg3[%get3A_131, %get3A_132] : memref<256x8192xbf16, #tpu.memory_space<vmem>>, vector<256x512xbf16>
    %dot_general3A_134 = arith.constant dense<0.000000e+00> : vector<512x512xf32>
    %dot_general3A_135 = tpu.matmul %convert_element_type3A, %get3A_133, %dot_general3A_134 {dimension_numbers = #tpu.dot_dimension_numbers<[1], [0], [0], [1], [0, 0, 1, 1], [], []>, transpose_lhs_hint = false} : vector<512x256xbf16>, vector<256x512xbf16>, vector<512x512xf32> -> vector<512x512xf32>
    %sub3A_136 = vector.broadcast %get3A_4 : vector<512x1xf32> to vector<512x512xf32>
    %sub3A_137 = arith.subf %sub3A_136, %dot_general3A_135 : vector<512x512xf32>
    %get3A_138 = arith.constant 0 : index
    %get3A_139 = arith.constant 3072 : index
    %get3A_140 = vector.load %arg4[%get3A_138, %get3A_139] : memref<1x8192xf32, #tpu.memory_space<vmem>>, vector<1x512xf32>
    %add3A_141 = vector.broadcast %get3A_140 : vector<1x512xf32> to vector<512x512xf32>
    %add3A_142 = arith.addf %sub3A_137, %add3A_141 : vector<512x512xf32>
    %max3A_143 = arith.constant 0.000000e+00 : f32
    %max3A_144 = vector.broadcast %max3A_143 : f32 to vector<512x512xf32>
    %max3A_145 = arith.maximumf %add3A_142, %max3A_144 : vector<512x512xf32>
    %swap3A_146 = arith.constant 0 : index
    %swap3A_147 = arith.constant 3072 : index
    %swap3A_148 = vector.load %arg6[%swap3A_146, %swap3A_147] : memref<512x8192xf32, #tpu.memory_space<vmem>>, vector<512x512xf32>
    tpu.vector_store %arg6[%swap3A_146, %swap3A_147], %max3A_145 {strides = array<i32>} : memref<512x8192xf32, #tpu.memory_space<vmem>>, vector<512x512xf32>,
    %reduce_min3A_149 = arith.constant dense<0x7F800000> : vector<512xf32>
    %reduce_min3A_150 = vector.multi_reduction <minimumf>, %max3A_145, %reduce_min3A_149 [1] : vector<512x512xf32> to vector<512xf32>
    %broadcast_in_dim3A_151 = vector.shape_cast %reduce_min3A_150 : vector<512xf32> to vector<512x1xf32>
    %min3A_152 = arith.minimumf %min3A_130, %broadcast_in_dim3A_151 : vector<512x1xf32>
    %get3A_153 = arith.constant 0 : index
    %get3A_154 = arith.constant 3584 : index
    %get3A_155 = vector.load %arg3[%get3A_153, %get3A_154] : memref<256x8192xbf16, #tpu.memory_space<vmem>>, vector<256x512xbf16>
    %dot_general3A_156 = arith.constant dense<0.000000e+00> : vector<512x512xf32>
    %dot_general3A_157 = tpu.matmul %convert_element_type3A, %get3A_155, %dot_general3A_156 {dimension_numbers = #tpu.dot_dimension_numbers<[1], [0], [0], [1], [0, 0, 1, 1], [], []>, transpose_lhs_hint = false} : vector<512x256xbf16>, vector<256x512xbf16>, vector<512x512xf32> -> vector<512x512xf32>
    %sub3A_158 = vector.broadcast %get3A_4 : vector<512x1xf32> to vector<512x512xf32>
    %sub3A_159 = arith.subf %sub3A_158, %dot_general3A_157 : vector<512x512xf32>
    %get3A_160 = arith.constant 0 : index
    %get3A_161 = arith.constant 3584 : index
    %get3A_162 = vector.load %arg4[%get3A_160, %get3A_161] : memref<1x8192xf32, #tpu.memory_space<vmem>>, vector<1x512xf32>
    %add3A_163 = vector.broadcast %get3A_162 : vector<1x512xf32> to vector<512x512xf32>
    %add3A_164 = arith.addf %sub3A_159, %add3A_163 : vector<512x512xf32>
    %max3A_165 = arith.constant 0.000000e+00 : f32
    %max3A_166 = vector.broadcast %max3A_165 : f32 to vector<512x512xf32>
    %max3A_167 = arith.maximumf %add3A_164, %max3A_166 : vector<512x512xf32>
    %swap3A_168 = arith.constant 0 : index
    %swap3A_169 = arith.constant 3584 : index
    %swap3A_170 = vector.load %arg6[%swap3A_168, %swap3A_169] : memref<512x8192xf32, #tpu.memory_space<vmem>>, vector<512x512xf32>
    tpu.vector_store %arg6[%swap3A_168, %swap3A_169], %max3A_167 {strides = array<i32>} : memref<512x8192xf32, #tpu.memory_space<vmem>>, vector<512x512xf32>,
    %reduce_min3A_171 = arith.constant dense<0x7F800000> : vector<512xf32>
    %reduce_min3A_172 = vector.multi_reduction <minimumf>, %max3A_167, %reduce_min3A_171 [1] : vector<512x512xf32> to vector<512xf32>
    %broadcast_in_dim3A_173 = vector.shape_cast %reduce_min3A_172 : vector<512xf32> to vector<512x1xf32>
    %min3A_174 = arith.minimumf %min3A_152, %broadcast_in_dim3A_173 : vector<512x1xf32>
    %get3A_175 = arith.constant 0 : index
    %get3A_176 = arith.constant 4096 : index
    %get3A_177 = vector.load %arg3[%get3A_175, %get3A_176] : memref<256x8192xbf16, #tpu.memory_space<vmem>>, vector<256x512xbf16>
    %dot_general3A_178 = arith.constant dense<0.000000e+00> : vector<512x512xf32>
    %dot_general3A_179 = tpu.matmul %convert_element_type3A, %get3A_177, %dot_general3A_178 {dimension_numbers = #tpu.dot_dimension_numbers<[1], [0], [0], [1], [0, 0, 1, 1], [], []>, transpose_lhs_hint = false} : vector<512x256xbf16>, vector<256x512xbf16>, vector<512x512xf32> -> vector<512x512xf32>
    %sub3A_180 = vector.broadcast %get3A_4 : vector<512x1xf32> to vector<512x512xf32>
    %sub3A_181 = arith.subf %sub3A_180, %dot_general3A_179 : vector<512x512xf32>
    %get3A_182 = arith.constant 0 : index
    %get3A_183 = arith.constant 4096 : index
    %get3A_184 = vector.load %arg4[%get3A_182, %get3A_183] : memref<1x8192xf32, #tpu.memory_space<vmem>>, vector<1x512xf32>
    %add3A_185 = vector.broadcast %get3A_184 : vector<1x512xf32> to vector<512x512xf32>
    %add3A_186 = arith.addf %sub3A_181, %add3A_185 : vector<512x512xf32>
    %max3A_187 = arith.constant 0.000000e+00 : f32
    %max3A_188 = vector.broadcast %max3A_187 : f32 to vector<512x512xf32>
    %max3A_189 = arith.maximumf %add3A_186, %max3A_188 : vector<512x512xf32>
    %swap3A_190 = arith.constant 0 : index
    %swap3A_191 = arith.constant 4096 : index
    %swap3A_192 = vector.load %arg6[%swap3A_190, %swap3A_191] : memref<512x8192xf32, #tpu.memory_space<vmem>>, vector<512x512xf32>
    tpu.vector_store %arg6[%swap3A_190, %swap3A_191], %max3A_189 {strides = array<i32>} : memref<512x8192xf32, #tpu.memory_space<vmem>>, vector<512x512xf32>,
    %reduce_min3A_193 = arith.constant dense<0x7F800000> : vector<512xf32>
    %reduce_min3A_194 = vector.multi_reduction <minimumf>, %max3A_189, %reduce_min3A_193 [1] : vector<512x512xf32> to vector<512xf32>
    %broadcast_in_dim3A_195 = vector.shape_cast %reduce_min3A_194 : vector<512xf32> to vector<512x1xf32>
    %min3A_196 = arith.minimumf %min3A_174, %broadcast_in_dim3A_195 : vector<512x1xf32>
    %get3A_197 = arith.constant 0 : index
    %get3A_198 = arith.constant 4608 : index
    %get3A_199 = vector.load %arg3[%get3A_197, %get3A_198] : memref<256x8192xbf16, #tpu.memory_space<vmem>>, vector<256x512xbf16>
    %dot_general3A_200 = arith.constant dense<0.000000e+00> : vector<512x512xf32>
    %dot_general3A_201 = tpu.matmul %convert_element_type3A, %get3A_199, %dot_general3A_200 {dimension_numbers = #tpu.dot_dimension_numbers<[1], [0], [0], [1], [0, 0, 1, 1], [], []>, transpose_lhs_hint = false} : vector<512x256xbf16>, vector<256x512xbf16>, vector<512x512xf32> -> vector<512x512xf32>
    %sub3A_202 = vector.broadcast %get3A_4 : vector<512x1xf32> to vector<512x512xf32>
    %sub3A_203 = arith.subf %sub3A_202, %dot_general3A_201 : vector<512x512xf32>
    %get3A_204 = arith.constant 0 : index
    %get3A_205 = arith.constant 4608 : index
    %get3A_206 = vector.load %arg4[%get3A_204, %get3A_205] : memref<1x8192xf32, #tpu.memory_space<vmem>>, vector<1x512xf32>
    %add3A_207 = vector.broadcast %get3A_206 : vector<1x512xf32> to vector<512x512xf32>
    %add3A_208 = arith.addf %sub3A_203, %add3A_207 : vector<512x512xf32>
    %max3A_209 = arith.constant 0.000000e+00 : f32
    %max3A_210 = vector.broadcast %max3A_209 : f32 to vector<512x512xf32>
    %max3A_211 = arith.maximumf %add3A_208, %max3A_210 : vector<512x512xf32>
    %swap3A_212 = arith.constant 0 : index
    %swap3A_213 = arith.constant 4608 : index
    %swap3A_214 = vector.load %arg6[%swap3A_212, %swap3A_213] : memref<512x8192xf32, #tpu.memory_space<vmem>>, vector<512x512xf32>
    tpu.vector_store %arg6[%swap3A_212, %swap3A_213], %max3A_211 {strides = array<i32>} : memref<512x8192xf32, #tpu.memory_space<vmem>>, vector<512x512xf32>,
    %reduce_min3A_215 = arith.constant dense<0x7F800000> : vector<512xf32>
    %reduce_min3A_216 = vector.multi_reduction <minimumf>, %max3A_211, %reduce_min3A_215 [1] : vector<512x512xf32> to vector<512xf32>
    %broadcast_in_dim3A_217 = vector.shape_cast %reduce_min3A_216 : vector<512xf32> to vector<512x1xf32>
    %min3A_218 = arith.minimumf %min3A_196, %broadcast_in_dim3A_217 : vector<512x1xf32>
    %get3A_219 = arith.constant 0 : index
    %get3A_220 = arith.constant 5120 : index
    %get3A_221 = vector.load %arg3[%get3A_219, %get3A_220] : memref<256x8192xbf16, #tpu.memory_space<vmem>>, vector<256x512xbf16>
    %dot_general3A_222 = arith.constant dense<0.000000e+00> : vector<512x512xf32>
    %dot_general3A_223 = tpu.matmul %convert_element_type3A, %get3A_221, %dot_general3A_222 {dimension_numbers = #tpu.dot_dimension_numbers<[1], [0], [0], [1], [0, 0, 1, 1], [], []>, transpose_lhs_hint = false} : vector<512x256xbf16>, vector<256x512xbf16>, vector<512x512xf32> -> vector<512x512xf32>
    %sub3A_224 = vector.broadcast %get3A_4 : vector<512x1xf32> to vector<512x512xf32>
    %sub3A_225 = arith.subf %sub3A_224, %dot_general3A_223 : vector<512x512xf32>
    %get3A_226 = arith.constant 0 : index
    %get3A_227 = arith.constant 5120 : index
    %get3A_228 = vector.load %arg4[%get3A_226, %get3A_227] : memref<1x8192xf32, #tpu.memory_space<vmem>>, vector<1x512xf32>
    %add3A_229 = vector.broadcast %get3A_228 : vector<1x512xf32> to vector<512x512xf32>
    %add3A_230 = arith.addf %sub3A_225, %add3A_229 : vector<512x512xf32>
    %max3A_231 = arith.constant 0.000000e+00 : f32
    %max3A_232 = vector.broadcast %max3A_231 : f32 to vector<512x512xf32>
    %max3A_233 = arith.maximumf %add3A_230, %max3A_232 : vector<512x512xf32>
    %swap3A_234 = arith.constant 0 : index
    %swap3A_235 = arith.constant 5120 : index
    %swap3A_236 = vector.load %arg6[%swap3A_234, %swap3A_235] : memref<512x8192xf32, #tpu.memory_space<vmem>>, vector<512x512xf32>
    tpu.vector_store %arg6[%swap3A_234, %swap3A_235], %max3A_233 {strides = array<i32>} : memref<512x8192xf32, #tpu.memory_space<vmem>>, vector<512x512xf32>,
    %reduce_min3A_237 = arith.constant dense<0x7F800000> : vector<512xf32>
    %reduce_min3A_238 = vector.multi_reduction <minimumf>, %max3A_233, %reduce_min3A_237 [1] : vector<512x512xf32> to vector<512xf32>
    %broadcast_in_dim3A_239 = vector.shape_cast %reduce_min3A_238 : vector<512xf32> to vector<512x1xf32>
    %min3A_240 = arith.minimumf %min3A_218, %broadcast_in_dim3A_239 : vector<512x1xf32>
    %get3A_241 = arith.constant 0 : index
    %get3A_242 = arith.constant 5632 : index
    %get3A_243 = vector.load %arg3[%get3A_241, %get3A_242] : memref<256x8192xbf16, #tpu.memory_space<vmem>>, vector<256x512xbf16>
    %dot_general3A_244 = arith.constant dense<0.000000e+00> : vector<512x512xf32>
    %dot_general3A_245 = tpu.matmul %convert_element_type3A, %get3A_243, %dot_general3A_244 {dimension_numbers = #tpu.dot_dimension_numbers<[1], [0], [0], [1], [0, 0, 1, 1], [], []>, transpose_lhs_hint = false} : vector<512x256xbf16>, vector<256x512xbf16>, vector<512x512xf32> -> vector<512x512xf32>
    %sub3A_246 = vector.broadcast %get3A_4 : vector<512x1xf32> to vector<512x512xf32>
    %sub3A_247 = arith.subf %sub3A_246, %dot_general3A_245 : vector<512x512xf32>
    %get3A_248 = arith.constant 0 : index
    %get3A_249 = arith.constant 5632 : index
    %get3A_250 = vector.load %arg4[%get3A_248, %get3A_249] : memref<1x8192xf32, #tpu.memory_space<vmem>>, vector<1x512xf32>
    %add3A_251 = vector.broadcast %get3A_250 : vector<1x512xf32> to vector<512x512xf32>
    %add3A_252 = arith.addf %sub3A_247, %add3A_251 : vector<512x512xf32>
    %max3A_253 = arith.constant 0.000000e+00 : f32
    %max3A_254 = vector.broadcast %max3A_253 : f32 to vector<512x512xf32>
    %max3A_255 = arith.maximumf %add3A_252, %max3A_254 : vector<512x512xf32>
    %swap3A_256 = arith.constant 0 : index
    %swap3A_257 = arith.constant 5632 : index
    %swap3A_258 = vector.load %arg6[%swap3A_256, %swap3A_257] : memref<512x8192xf32, #tpu.memory_space<vmem>>, vector<512x512xf32>
    tpu.vector_store %arg6[%swap3A_256, %swap3A_257], %max3A_255 {strides = array<i32>} : memref<512x8192xf32, #tpu.memory_space<vmem>>, vector<512x512xf32>,
    %reduce_min3A_259 = arith.constant dense<0x7F800000> : vector<512xf32>
    %reduce_min3A_260 = vector.multi_reduction <minimumf>, %max3A_255, %reduce_min3A_259 [1] : vector<512x512xf32> to vector<512xf32>
    %broadcast_in_dim3A_261 = vector.shape_cast %reduce_min3A_260 : vector<512xf32> to vector<512x1xf32>
    %min3A_262 = arith.minimumf %min3A_240, %broadcast_in_dim3A_261 : vector<512x1xf32>
    %get3A_263 = arith.constant 0 : index
    %get3A_264 = arith.constant 6144 : index
    %get3A_265 = vector.load %arg3[%get3A_263, %get3A_264] : memref<256x8192xbf16, #tpu.memory_space<vmem>>, vector<256x512xbf16>
    %dot_general3A_266 = arith.constant dense<0.000000e+00> : vector<512x512xf32>
    %dot_general3A_267 = tpu.matmul %convert_element_type3A, %get3A_265, %dot_general3A_266 {dimension_numbers = #tpu.dot_dimension_numbers<[1], [0], [0], [1], [0, 0, 1, 1], [], []>, transpose_lhs_hint = false} : vector<512x256xbf16>, vector<256x512xbf16>, vector<512x512xf32> -> vector<512x512xf32>
    %sub3A_268 = vector.broadcast %get3A_4 : vector<512x1xf32> to vector<512x512xf32>
    %sub3A_269 = arith.subf %sub3A_268, %dot_general3A_267 : vector<512x512xf32>
    %get3A_270 = arith.constant 0 : index
    %get3A_271 = arith.constant 6144 : index
    %get3A_272 = vector.load %arg4[%get3A_270, %get3A_271] : memref<1x8192xf32, #tpu.memory_space<vmem>>, vector<1x512xf32>
    %add3A_273 = vector.broadcast %get3A_272 : vector<1x512xf32> to vector<512x512xf32>
    %add3A_274 = arith.addf %sub3A_269, %add3A_273 : vector<512x512xf32>
    %max3A_275 = arith.constant 0.000000e+00 : f32
    %max3A_276 = vector.broadcast %max3A_275 : f32 to vector<512x512xf32>
    %max3A_277 = arith.maximumf %add3A_274, %max3A_276 : vector<512x512xf32>
    %swap3A_278 = arith.constant 0 : index
    %swap3A_279 = arith.constant 6144 : index
    %swap3A_280 = vector.load %arg6[%swap3A_278, %swap3A_279] : memref<512x8192xf32, #tpu.memory_space<vmem>>, vector<512x512xf32>
    tpu.vector_store %arg6[%swap3A_278, %swap3A_279], %max3A_277 {strides = array<i32>} : memref<512x8192xf32, #tpu.memory_space<vmem>>, vector<512x512xf32>,
    %reduce_min3A_281 = arith.constant dense<0x7F800000> : vector<512xf32>
    %reduce_min3A_282 = vector.multi_reduction <minimumf>, %max3A_277, %reduce_min3A_281 [1] : vector<512x512xf32> to vector<512xf32>
    %broadcast_in_dim3A_283 = vector.shape_cast %reduce_min3A_282 : vector<512xf32> to vector<512x1xf32>
    %min3A_284 = arith.minimumf %min3A_262, %broadcast_in_dim3A_283 : vector<512x1xf32>
    %get3A_285 = arith.constant 0 : index
    %get3A_286 = arith.constant 6656 : index
    %get3A_287 = vector.load %arg3[%get3A_285, %get3A_286] : memref<256x8192xbf16, #tpu.memory_space<vmem>>, vector<256x512xbf16>
    %dot_general3A_288 = arith.constant dense<0.000000e+00> : vector<512x512xf32>
    %dot_general3A_289 = tpu.matmul %convert_element_type3A, %get3A_287, %dot_general3A_288 {dimension_numbers = #tpu.dot_dimension_numbers<[1], [0], [0], [1], [0, 0, 1, 1], [], []>, transpose_lhs_hint = false} : vector<512x256xbf16>, vector<256x512xbf16>, vector<512x512xf32> -> vector<512x512xf32>
    %sub3A_290 = vector.broadcast %get3A_4 : vector<512x1xf32> to vector<512x512xf32>
    %sub3A_291 = arith.subf %sub3A_290, %dot_general3A_289 : vector<512x512xf32>
    %get3A_292 = arith.constant 0 : index
    %get3A_293 = arith.constant 6656 : index
    %get3A_294 = vector.load %arg4[%get3A_292, %get3A_293] : memref<1x8192xf32, #tpu.memory_space<vmem>>, vector<1x512xf32>
    %add3A_295 = vector.broadcast %get3A_294 : vector<1x512xf32> to vector<512x512xf32>
    %add3A_296 = arith.addf %sub3A_291, %add3A_295 : vector<512x512xf32>
    %max3A_297 = arith.constant 0.000000e+00 : f32
    %max3A_298 = vector.broadcast %max3A_297 : f32 to vector<512x512xf32>
    %max3A_299 = arith.maximumf %add3A_296, %max3A_298 : vector<512x512xf32>
    %swap3A_300 = arith.constant 0 : index
    %swap3A_301 = arith.constant 6656 : index
    %swap3A_302 = vector.load %arg6[%swap3A_300, %swap3A_301] : memref<512x8192xf32, #tpu.memory_space<vmem>>, vector<512x512xf32>
    tpu.vector_store %arg6[%swap3A_300, %swap3A_301], %max3A_299 {strides = array<i32>} : memref<512x8192xf32, #tpu.memory_space<vmem>>, vector<512x512xf32>,
    %reduce_min3A_303 = arith.constant dense<0x7F800000> : vector<512xf32>
    %reduce_min3A_304 = vector.multi_reduction <minimumf>, %max3A_299, %reduce_min3A_303 [1] : vector<512x512xf32> to vector<512xf32>
    %broadcast_in_dim3A_305 = vector.shape_cast %reduce_min3A_304 : vector<512xf32> to vector<512x1xf32>
    %min3A_306 = arith.minimumf %min3A_284, %broadcast_in_dim3A_305 : vector<512x1xf32>
    %get3A_307 = arith.constant 0 : index
    %get3A_308 = arith.constant 7168 : index
    %get3A_309 = vector.load %arg3[%get3A_307, %get3A_308] : memref<256x8192xbf16, #tpu.memory_space<vmem>>, vector<256x512xbf16>
    %dot_general3A_310 = arith.constant dense<0.000000e+00> : vector<512x512xf32>
    %dot_general3A_311 = tpu.matmul %convert_element_type3A, %get3A_309, %dot_general3A_310 {dimension_numbers = #tpu.dot_dimension_numbers<[1], [0], [0], [1], [0, 0, 1, 1], [], []>, transpose_lhs_hint = false} : vector<512x256xbf16>, vector<256x512xbf16>, vector<512x512xf32> -> vector<512x512xf32>
    %sub3A_312 = vector.broadcast %get3A_4 : vector<512x1xf32> to vector<512x512xf32>
    %sub3A_313 = arith.subf %sub3A_312, %dot_general3A_311 : vector<512x512xf32>
    %get3A_314 = arith.constant 0 : index
    %get3A_315 = arith.constant 7168 : index
    %get3A_316 = vector.load %arg4[%get3A_314, %get3A_315] : memref<1x8192xf32, #tpu.memory_space<vmem>>, vector<1x512xf32>
    %add3A_317 = vector.broadcast %get3A_316 : vector<1x512xf32> to vector<512x512xf32>
    %add3A_318 = arith.addf %sub3A_313, %add3A_317 : vector<512x512xf32>
    %max3A_319 = arith.constant 0.000000e+00 : f32
    %max3A_320 = vector.broadcast %max3A_319 : f32 to vector<512x512xf32>
    %max3A_321 = arith.maximumf %add3A_318, %max3A_320 : vector<512x512xf32>
    %swap3A_322 = arith.constant 0 : index
    %swap3A_323 = arith.constant 7168 : index
    %swap3A_324 = vector.load %arg6[%swap3A_322, %swap3A_323] : memref<512x8192xf32, #tpu.memory_space<vmem>>, vector<512x512xf32>
    tpu.vector_store %arg6[%swap3A_322, %swap3A_323], %max3A_321 {strides = array<i32>} : memref<512x8192xf32, #tpu.memory_space<vmem>>, vector<512x512xf32>,
    %reduce_min3A_325 = arith.constant dense<0x7F800000> : vector<512xf32>
    %reduce_min3A_326 = vector.multi_reduction <minimumf>, %max3A_321, %reduce_min3A_325 [1] : vector<512x512xf32> to vector<512xf32>
    %broadcast_in_dim3A_327 = vector.shape_cast %reduce_min3A_326 : vector<512xf32> to vector<512x1xf32>
    %min3A_328 = arith.minimumf %min3A_306, %broadcast_in_dim3A_327 : vector<512x1xf32>
    %get3A_329 = arith.constant 0 : index
    %get3A_330 = arith.constant 7680 : index
    %get3A_331 = vector.load %arg3[%get3A_329, %get3A_330] : memref<256x8192xbf16, #tpu.memory_space<vmem>>, vector<256x512xbf16>
    %dot_general3A_332 = arith.constant dense<0.000000e+00> : vector<512x512xf32>
    %dot_general3A_333 = tpu.matmul %convert_element_type3A, %get3A_331, %dot_general3A_332 {dimension_numbers = #tpu.dot_dimension_numbers<[1], [0], [0], [1], [0, 0, 1, 1], [], []>, transpose_lhs_hint = false} : vector<512x256xbf16>, vector<256x512xbf16>, vector<512x512xf32> -> vector<512x512xf32>
    %sub3A_334 = vector.broadcast %get3A_4 : vector<512x1xf32> to vector<512x512xf32>
    %sub3A_335 = arith.subf %sub3A_334, %dot_general3A_333 : vector<512x512xf32>
    %get3A_336 = arith.constant 0 : index
    %get3A_337 = arith.constant 7680 : index
    %get3A_338 = vector.load %arg4[%get3A_336, %get3A_337] : memref<1x8192xf32, #tpu.memory_space<vmem>>, vector<1x512xf32>
    %add3A_339 = vector.broadcast %get3A_338 : vector<1x512xf32> to vector<512x512xf32>
    %add3A_340 = arith.addf %sub3A_335, %add3A_339 : vector<512x512xf32>
    %max3A_341 = arith.constant 0.000000e+00 : f32
    %max3A_342 = vector.broadcast %max3A_341 : f32 to vector<512x512xf32>
    %max3A_343 = arith.maximumf %add3A_340, %max3A_342 : vector<512x512xf32>
    %swap3A_344 = arith.constant 0 : index
    %swap3A_345 = arith.constant 7680 : index
    %swap3A_346 = vector.load %arg6[%swap3A_344, %swap3A_345] : memref<512x8192xf32, #tpu.memory_space<vmem>>, vector<512x512xf32>
    tpu.vector_store %arg6[%swap3A_344, %swap3A_345], %max3A_343 {strides = array<i32>} : memref<512x8192xf32, #tpu.memory_space<vmem>>, vector<512x512xf32>,
    %reduce_min3A_347 = arith.constant dense<0x7F800000> : vector<512xf32>
    %reduce_min3A_348 = vector.multi_reduction <minimumf>, %max3A_343, %reduce_min3A_347 [1] : vector<512x512xf32> to vector<512xf32>
    %broadcast_in_dim3A_349 = vector.shape_cast %reduce_min3A_348 : vector<512xf32> to vector<512x1xf32>
    %min3A_350 = arith.minimumf %min3A_328, %broadcast_in_dim3A_349 : vector<512x1xf32>
    %sqrt3A = math.sqrt %min3A_350 : vector<512x1xf32>
    %mul3A = arith.mulf %sqrt3A, %sqrt3A : vector<512x1xf32>
    %bitcast3A = tpu.bitcast %mul3A : vector<512x1xf32> -> vector<512x1xi32>
    %iota3A = tpu.iota {dimensions = array<i32: 1>} : vector<512x16xi32>
    %sub3A_351 = arith.constant 4 : i32
    %sub3A_352 = vector.broadcast %sub3A_351 : i32 to vector<512x16xi32>
    %sub3A_353 = arith.subi %iota3A, %sub3A_352 : vector<512x16xi32>
    %add3A_354 = vector.broadcast %bitcast3A : vector<512x1xi32> to vector<512x16xi32>
    %add3A_355 = arith.addi %add3A_354, %sub3A_353 : vector<512x16xi32>
    %max3A_356 = arith.constant 0 : i32
    %max3A_357 = vector.broadcast %max3A_356 : i32 to vector<512x16xi32>
    %max3A_358 = arith.maxsi %add3A_355, %max3A_357 : vector<512x16xi32>
    %bitcast3A_359 = tpu.bitcast %max3A_358 : vector<512x16xi32> -> vector<512x16xf32>
    %sqrt3A_360 = math.sqrt %bitcast3A_359 : vector<512x16xf32>
    %le3A = vector.broadcast %sqrt3A : vector<512x1xf32> to vector<512x16xf32>
    %le3A_361 = arith.cmpf ole, %sqrt3A_360, %le3A : vector<512x16xf32>
    %jit3A = arith.constant 0.000000e+00 : f32
    %broadcast_in_dim3A_362 = vector.broadcast %jit3A : f32 to vector<512x16xf32>
    %select_n3A = arith.select %le3A_361, %bitcast3A_359, %broadcast_in_dim3A_362 : vector<512x16xi1>, vector<512x16xf32>
    %reduce_max3A = arith.constant dense<0xFF800000> : vector<512xf32>
    %reduce_max3A_363 = vector.multi_reduction <maximumf>, %select_n3A, %reduce_max3A [1] : vector<512x16xf32> to vector<512xf32>
    %broadcast_in_dim3A_364 = vector.shape_cast %reduce_max3A_363 : vector<512xf32> to vector<512x1xf32>
    %max3A_365 = arith.maximumf %broadcast_in_dim3A_364, %min3A_350 : vector<512x1xf32>
    %iota3A_366 = tpu.iota {dimensions = array<i32: 1>} : vector<512x512xi32>
    %convert_element_type3A_367 = arith.sitofp %iota3A_366 : vector<512x512xi32> to vector<512x512xf32>
    %broadcast_in_dim3A_368 = arith.constant 1.000000e+09 : f32
    %broadcast_in_dim3A_369 = vector.broadcast %broadcast_in_dim3A_368 : f32 to vector<512x1xf32>
    %get3A_370 = arith.constant 0 : index
    %get3A_371 = arith.constant 0 : index
    %get3A_372 = vector.load %arg6[%get3A_370, %get3A_371] : memref<512x8192xf32, #tpu.memory_space<vmem>>, vector<512x512xf32>
    %le3A_373 = vector.broadcast %max3A_365 : vector<512x1xf32> to vector<512x512xf32>
    %le3A_374 = arith.cmpf ole, %get3A_372, %le3A_373 : vector<512x512xf32>
    %jit3A_375 = arith.constant 1.000000e+09 : f32
    %broadcast_in_dim3A_376 = vector.broadcast %jit3A_375 : f32 to vector<512x512xf32>
    %select_n3A_377 = arith.select %le3A_374, %convert_element_type3A_367, %broadcast_in_dim3A_376 : vector<512x512xi1>, vector<512x512xf32>
    %reduce_min3A_378 = arith.constant dense<0x7F800000> : vector<512xf32>
    %reduce_min3A_379 = vector.multi_reduction <minimumf>, %select_n3A_377, %reduce_min3A_378 [1] : vector<512x512xf32> to vector<512xf32>
    %broadcast_in_dim3A_380 = vector.shape_cast %reduce_min3A_379 : vector<512xf32> to vector<512x1xf32>
    %add3A_381 = arith.constant 0.000000e+00 : f32
    %add3A_382 = vector.broadcast %add3A_381 : f32 to vector<512x1xf32>
    %add3A_383 = arith.addf %broadcast_in_dim3A_380, %add3A_382 : vector<512x1xf32>
    %min3A_384 = arith.minimumf %broadcast_in_dim3A_369, %add3A_383 : vector<512x1xf32>
    %get3A_385 = arith.constant 0 : index
    %get3A_386 = arith.constant 512 : index
    %get3A_387 = vector.load %arg6[%get3A_385, %get3A_386] : memref<512x8192xf32, #tpu.memory_space<vmem>>, vector<512x512xf32>
    %le3A_388 = vector.broadcast %max3A_365 : vector<512x1xf32> to vector<512x512xf32>
    %le3A_389 = arith.cmpf ole, %get3A_387, %le3A_388 : vector<512x512xf32>
    %jit3A_390 = arith.constant 1.000000e+09 : f32
    %broadcast_in_dim3A_391 = vector.broadcast %jit3A_390 : f32 to vector<512x512xf32>
    %select_n3A_392 = arith.select %le3A_389, %convert_element_type3A_367, %broadcast_in_dim3A_391 : vector<512x512xi1>, vector<512x512xf32>
    %reduce_min3A_393 = arith.constant dense<0x7F800000> : vector<512xf32>
    %reduce_min3A_394 = vector.multi_reduction <minimumf>, %select_n3A_392, %reduce_min3A_393 [1] : vector<512x512xf32> to vector<512xf32>
    %broadcast_in_dim3A_395 = vector.shape_cast %reduce_min3A_394 : vector<512xf32> to vector<512x1xf32>
    %add3A_396 = arith.constant 5.120000e+02 : f32
    %add3A_397 = vector.broadcast %add3A_396 : f32 to vector<512x1xf32>
    %add3A_398 = arith.addf %broadcast_in_dim3A_395, %add3A_397 : vector<512x1xf32>
    %min3A_399 = arith.minimumf %min3A_384, %add3A_398 : vector<512x1xf32>
    %get3A_400 = arith.constant 0 : index
    %get3A_401 = arith.constant 1024 : index
    %get3A_402 = vector.load %arg6[%get3A_400, %get3A_401] : memref<512x8192xf32, #tpu.memory_space<vmem>>, vector<512x512xf32>
    %le3A_403 = vector.broadcast %max3A_365 : vector<512x1xf32> to vector<512x512xf32>
    %le3A_404 = arith.cmpf ole, %get3A_402, %le3A_403 : vector<512x512xf32>
    %jit3A_405 = arith.constant 1.000000e+09 : f32
    %broadcast_in_dim3A_406 = vector.broadcast %jit3A_405 : f32 to vector<512x512xf32>
    %select_n3A_407 = arith.select %le3A_404, %convert_element_type3A_367, %broadcast_in_dim3A_406 : vector<512x512xi1>, vector<512x512xf32>
    %reduce_min3A_408 = arith.constant dense<0x7F800000> : vector<512xf32>
    %reduce_min3A_409 = vector.multi_reduction <minimumf>, %select_n3A_407, %reduce_min3A_408 [1] : vector<512x512xf32> to vector<512xf32>
    %broadcast_in_dim3A_410 = vector.shape_cast %reduce_min3A_409 : vector<512xf32> to vector<512x1xf32>
    %add3A_411 = arith.constant 1.024000e+03 : f32
    %add3A_412 = vector.broadcast %add3A_411 : f32 to vector<512x1xf32>
    %add3A_413 = arith.addf %broadcast_in_dim3A_410, %add3A_412 : vector<512x1xf32>
    %min3A_414 = arith.minimumf %min3A_399, %add3A_413 : vector<512x1xf32>
    %get3A_415 = arith.constant 0 : index
    %get3A_416 = arith.constant 1536 : index
    %get3A_417 = vector.load %arg6[%get3A_415, %get3A_416] : memref<512x8192xf32, #tpu.memory_space<vmem>>, vector<512x512xf32>
    %le3A_418 = vector.broadcast %max3A_365 : vector<512x1xf32> to vector<512x512xf32>
    %le3A_419 = arith.cmpf ole, %get3A_417, %le3A_418 : vector<512x512xf32>
    %jit3A_420 = arith.constant 1.000000e+09 : f32
    %broadcast_in_dim3A_421 = vector.broadcast %jit3A_420 : f32 to vector<512x512xf32>
    %select_n3A_422 = arith.select %le3A_419, %convert_element_type3A_367, %broadcast_in_dim3A_421 : vector<512x512xi1>, vector<512x512xf32>
    %reduce_min3A_423 = arith.constant dense<0x7F800000> : vector<512xf32>
    %reduce_min3A_424 = vector.multi_reduction <minimumf>, %select_n3A_422, %reduce_min3A_423 [1] : vector<512x512xf32> to vector<512xf32>
    %broadcast_in_dim3A_425 = vector.shape_cast %reduce_min3A_424 : vector<512xf32> to vector<512x1xf32>
    %add3A_426 = arith.constant 1.536000e+03 : f32
    %add3A_427 = vector.broadcast %add3A_426 : f32 to vector<512x1xf32>
    %add3A_428 = arith.addf %broadcast_in_dim3A_425, %add3A_427 : vector<512x1xf32>
    %min3A_429 = arith.minimumf %min3A_414, %add3A_428 : vector<512x1xf32>
    %get3A_430 = arith.constant 0 : index
    %get3A_431 = arith.constant 2048 : index
    %get3A_432 = vector.load %arg6[%get3A_430, %get3A_431] : memref<512x8192xf32, #tpu.memory_space<vmem>>, vector<512x512xf32>
    %le3A_433 = vector.broadcast %max3A_365 : vector<512x1xf32> to vector<512x512xf32>
    %le3A_434 = arith.cmpf ole, %get3A_432, %le3A_433 : vector<512x512xf32>
    %jit3A_435 = arith.constant 1.000000e+09 : f32
    %broadcast_in_dim3A_436 = vector.broadcast %jit3A_435 : f32 to vector<512x512xf32>
    %select_n3A_437 = arith.select %le3A_434, %convert_element_type3A_367, %broadcast_in_dim3A_436 : vector<512x512xi1>, vector<512x512xf32>
    %reduce_min3A_438 = arith.constant dense<0x7F800000> : vector<512xf32>
    %reduce_min3A_439 = vector.multi_reduction <minimumf>, %select_n3A_437, %reduce_min3A_438 [1] : vector<512x512xf32> to vector<512xf32>
    %broadcast_in_dim3A_440 = vector.shape_cast %reduce_min3A_439 : vector<512xf32> to vector<512x1xf32>
    %add3A_441 = arith.constant 2.048000e+03 : f32
    %add3A_442 = vector.broadcast %add3A_441 : f32 to vector<512x1xf32>
    %add3A_443 = arith.addf %broadcast_in_dim3A_440, %add3A_442 : vector<512x1xf32>
    %min3A_444 = arith.minimumf %min3A_429, %add3A_443 : vector<512x1xf32>
    %get3A_445 = arith.constant 0 : index
    %get3A_446 = arith.constant 2560 : index
    %get3A_447 = vector.load %arg6[%get3A_445, %get3A_446] : memref<512x8192xf32, #tpu.memory_space<vmem>>, vector<512x512xf32>
    %le3A_448 = vector.broadcast %max3A_365 : vector<512x1xf32> to vector<512x512xf32>
    %le3A_449 = arith.cmpf ole, %get3A_447, %le3A_448 : vector<512x512xf32>
    %jit3A_450 = arith.constant 1.000000e+09 : f32
    %broadcast_in_dim3A_451 = vector.broadcast %jit3A_450 : f32 to vector<512x512xf32>
    %select_n3A_452 = arith.select %le3A_449, %convert_element_type3A_367, %broadcast_in_dim3A_451 : vector<512x512xi1>, vector<512x512xf32>
    %reduce_min3A_453 = arith.constant dense<0x7F800000> : vector<512xf32>
    %reduce_min3A_454 = vector.multi_reduction <minimumf>, %select_n3A_452, %reduce_min3A_453 [1] : vector<512x512xf32> to vector<512xf32>
    %broadcast_in_dim3A_455 = vector.shape_cast %reduce_min3A_454 : vector<512xf32> to vector<512x1xf32>
    %add3A_456 = arith.constant 2.560000e+03 : f32
    %add3A_457 = vector.broadcast %add3A_456 : f32 to vector<512x1xf32>
    %add3A_458 = arith.addf %broadcast_in_dim3A_455, %add3A_457 : vector<512x1xf32>
    %min3A_459 = arith.minimumf %min3A_444, %add3A_458 : vector<512x1xf32>
    %get3A_460 = arith.constant 0 : index
    %get3A_461 = arith.constant 3072 : index
    %get3A_462 = vector.load %arg6[%get3A_460, %get3A_461] : memref<512x8192xf32, #tpu.memory_space<vmem>>, vector<512x512xf32>
    %le3A_463 = vector.broadcast %max3A_365 : vector<512x1xf32> to vector<512x512xf32>
    %le3A_464 = arith.cmpf ole, %get3A_462, %le3A_463 : vector<512x512xf32>
    %jit3A_465 = arith.constant 1.000000e+09 : f32
    %broadcast_in_dim3A_466 = vector.broadcast %jit3A_465 : f32 to vector<512x512xf32>
    %select_n3A_467 = arith.select %le3A_464, %convert_element_type3A_367, %broadcast_in_dim3A_466 : vector<512x512xi1>, vector<512x512xf32>
    %reduce_min3A_468 = arith.constant dense<0x7F800000> : vector<512xf32>
    %reduce_min3A_469 = vector.multi_reduction <minimumf>, %select_n3A_467, %reduce_min3A_468 [1] : vector<512x512xf32> to vector<512xf32>
    %broadcast_in_dim3A_470 = vector.shape_cast %reduce_min3A_469 : vector<512xf32> to vector<512x1xf32>
    %add3A_471 = arith.constant 3.072000e+03 : f32
    %add3A_472 = vector.broadcast %add3A_471 : f32 to vector<512x1xf32>
    %add3A_473 = arith.addf %broadcast_in_dim3A_470, %add3A_472 : vector<512x1xf32>
    %min3A_474 = arith.minimumf %min3A_459, %add3A_473 : vector<512x1xf32>
    %get3A_475 = arith.constant 0 : index
    %get3A_476 = arith.constant 3584 : index
    %get3A_477 = vector.load %arg6[%get3A_475, %get3A_476] : memref<512x8192xf32, #tpu.memory_space<vmem>>, vector<512x512xf32>
    %le3A_478 = vector.broadcast %max3A_365 : vector<512x1xf32> to vector<512x512xf32>
    %le3A_479 = arith.cmpf ole, %get3A_477, %le3A_478 : vector<512x512xf32>
    %jit3A_480 = arith.constant 1.000000e+09 : f32
    %broadcast_in_dim3A_481 = vector.broadcast %jit3A_480 : f32 to vector<512x512xf32>
    %select_n3A_482 = arith.select %le3A_479, %convert_element_type3A_367, %broadcast_in_dim3A_481 : vector<512x512xi1>, vector<512x512xf32>
    %reduce_min3A_483 = arith.constant dense<0x7F800000> : vector<512xf32>
    %reduce_min3A_484 = vector.multi_reduction <minimumf>, %select_n3A_482, %reduce_min3A_483 [1] : vector<512x512xf32> to vector<512xf32>
    %broadcast_in_dim3A_485 = vector.shape_cast %reduce_min3A_484 : vector<512xf32> to vector<512x1xf32>
    %add3A_486 = arith.constant 3.584000e+03 : f32
    %add3A_487 = vector.broadcast %add3A_486 : f32 to vector<512x1xf32>
    %add3A_488 = arith.addf %broadcast_in_dim3A_485, %add3A_487 : vector<512x1xf32>
    %min3A_489 = arith.minimumf %min3A_474, %add3A_488 : vector<512x1xf32>
    %get3A_490 = arith.constant 0 : index
    %get3A_491 = arith.constant 4096 : index
    %get3A_492 = vector.load %arg6[%get3A_490, %get3A_491] : memref<512x8192xf32, #tpu.memory_space<vmem>>, vector<512x512xf32>
    %le3A_493 = vector.broadcast %max3A_365 : vector<512x1xf32> to vector<512x512xf32>
    %le3A_494 = arith.cmpf ole, %get3A_492, %le3A_493 : vector<512x512xf32>
    %jit3A_495 = arith.constant 1.000000e+09 : f32
    %broadcast_in_dim3A_496 = vector.broadcast %jit3A_495 : f32 to vector<512x512xf32>
    %select_n3A_497 = arith.select %le3A_494, %convert_element_type3A_367, %broadcast_in_dim3A_496 : vector<512x512xi1>, vector<512x512xf32>
    %reduce_min3A_498 = arith.constant dense<0x7F800000> : vector<512xf32>
    %reduce_min3A_499 = vector.multi_reduction <minimumf>, %select_n3A_497, %reduce_min3A_498 [1] : vector<512x512xf32> to vector<512xf32>
    %broadcast_in_dim3A_500 = vector.shape_cast %reduce_min3A_499 : vector<512xf32> to vector<512x1xf32>
    %add3A_501 = arith.constant 4.096000e+03 : f32
    %add3A_502 = vector.broadcast %add3A_501 : f32 to vector<512x1xf32>
    %add3A_503 = arith.addf %broadcast_in_dim3A_500, %add3A_502 : vector<512x1xf32>
    %min3A_504 = arith.minimumf %min3A_489, %add3A_503 : vector<512x1xf32>
    %get3A_505 = arith.constant 0 : index
    %get3A_506 = arith.constant 4608 : index
    %get3A_507 = vector.load %arg6[%get3A_505, %get3A_506] : memref<512x8192xf32, #tpu.memory_space<vmem>>, vector<512x512xf32>
    %le3A_508 = vector.broadcast %max3A_365 : vector<512x1xf32> to vector<512x512xf32>
    %le3A_509 = arith.cmpf ole, %get3A_507, %le3A_508 : vector<512x512xf32>
    %jit3A_510 = arith.constant 1.000000e+09 : f32
    %broadcast_in_dim3A_511 = vector.broadcast %jit3A_510 : f32 to vector<512x512xf32>
    %select_n3A_512 = arith.select %le3A_509, %convert_element_type3A_367, %broadcast_in_dim3A_511 : vector<512x512xi1>, vector<512x512xf32>
    %reduce_min3A_513 = arith.constant dense<0x7F800000> : vector<512xf32>
    %reduce_min3A_514 = vector.multi_reduction <minimumf>, %select_n3A_512, %reduce_min3A_513 [1] : vector<512x512xf32> to vector<512xf32>
    %broadcast_in_dim3A_515 = vector.shape_cast %reduce_min3A_514 : vector<512xf32> to vector<512x1xf32>
    %add3A_516 = arith.constant 4.608000e+03 : f32
    %add3A_517 = vector.broadcast %add3A_516 : f32 to vector<512x1xf32>
    %add3A_518 = arith.addf %broadcast_in_dim3A_515, %add3A_517 : vector<512x1xf32>
    %min3A_519 = arith.minimumf %min3A_504, %add3A_518 : vector<512x1xf32>
    %get3A_520 = arith.constant 0 : index
    %get3A_521 = arith.constant 5120 : index
    %get3A_522 = vector.load %arg6[%get3A_520, %get3A_521] : memref<512x8192xf32, #tpu.memory_space<vmem>>, vector<512x512xf32>
    %le3A_523 = vector.broadcast %max3A_365 : vector<512x1xf32> to vector<512x512xf32>
    %le3A_524 = arith.cmpf ole, %get3A_522, %le3A_523 : vector<512x512xf32>
    %jit3A_525 = arith.constant 1.000000e+09 : f32
    %broadcast_in_dim3A_526 = vector.broadcast %jit3A_525 : f32 to vector<512x512xf32>
    %select_n3A_527 = arith.select %le3A_524, %convert_element_type3A_367, %broadcast_in_dim3A_526 : vector<512x512xi1>, vector<512x512xf32>
    %reduce_min3A_528 = arith.constant dense<0x7F800000> : vector<512xf32>
    %reduce_min3A_529 = vector.multi_reduction <minimumf>, %select_n3A_527, %reduce_min3A_528 [1] : vector<512x512xf32> to vector<512xf32>
    %broadcast_in_dim3A_530 = vector.shape_cast %reduce_min3A_529 : vector<512xf32> to vector<512x1xf32>
    %add3A_531 = arith.constant 5.120000e+03 : f32
    %add3A_532 = vector.broadcast %add3A_531 : f32 to vector<512x1xf32>
    %add3A_533 = arith.addf %broadcast_in_dim3A_530, %add3A_532 : vector<512x1xf32>
    %min3A_534 = arith.minimumf %min3A_519, %add3A_533 : vector<512x1xf32>
    %get3A_535 = arith.constant 0 : index
    %get3A_536 = arith.constant 5632 : index
    %get3A_537 = vector.load %arg6[%get3A_535, %get3A_536] : memref<512x8192xf32, #tpu.memory_space<vmem>>, vector<512x512xf32>
    %le3A_538 = vector.broadcast %max3A_365 : vector<512x1xf32> to vector<512x512xf32>
    %le3A_539 = arith.cmpf ole, %get3A_537, %le3A_538 : vector<512x512xf32>
    %jit3A_540 = arith.constant 1.000000e+09 : f32
    %broadcast_in_dim3A_541 = vector.broadcast %jit3A_540 : f32 to vector<512x512xf32>
    %select_n3A_542 = arith.select %le3A_539, %convert_element_type3A_367, %broadcast_in_dim3A_541 : vector<512x512xi1>, vector<512x512xf32>
    %reduce_min3A_543 = arith.constant dense<0x7F800000> : vector<512xf32>
    %reduce_min3A_544 = vector.multi_reduction <minimumf>, %select_n3A_542, %reduce_min3A_543 [1] : vector<512x512xf32> to vector<512xf32>
    %broadcast_in_dim3A_545 = vector.shape_cast %reduce_min3A_544 : vector<512xf32> to vector<512x1xf32>
    %add3A_546 = arith.constant 5.632000e+03 : f32
    %add3A_547 = vector.broadcast %add3A_546 : f32 to vector<512x1xf32>
    %add3A_548 = arith.addf %broadcast_in_dim3A_545, %add3A_547 : vector<512x1xf32>
    %min3A_549 = arith.minimumf %min3A_534, %add3A_548 : vector<512x1xf32>
    %get3A_550 = arith.constant 0 : index
    %get3A_551 = arith.constant 6144 : index
    %get3A_552 = vector.load %arg6[%get3A_550, %get3A_551] : memref<512x8192xf32, #tpu.memory_space<vmem>>, vector<512x512xf32>
    %le3A_553 = vector.broadcast %max3A_365 : vector<512x1xf32> to vector<512x512xf32>
    %le3A_554 = arith.cmpf ole, %get3A_552, %le3A_553 : vector<512x512xf32>
    %jit3A_555 = arith.constant 1.000000e+09 : f32
    %broadcast_in_dim3A_556 = vector.broadcast %jit3A_555 : f32 to vector<512x512xf32>
    %select_n3A_557 = arith.select %le3A_554, %convert_element_type3A_367, %broadcast_in_dim3A_556 : vector<512x512xi1>, vector<512x512xf32>
    %reduce_min3A_558 = arith.constant dense<0x7F800000> : vector<512xf32>
    %reduce_min3A_559 = vector.multi_reduction <minimumf>, %select_n3A_557, %reduce_min3A_558 [1] : vector<512x512xf32> to vector<512xf32>
    %broadcast_in_dim3A_560 = vector.shape_cast %reduce_min3A_559 : vector<512xf32> to vector<512x1xf32>
    %add3A_561 = arith.constant 6.144000e+03 : f32
    %add3A_562 = vector.broadcast %add3A_561 : f32 to vector<512x1xf32>
    %add3A_563 = arith.addf %broadcast_in_dim3A_560, %add3A_562 : vector<512x1xf32>
    %min3A_564 = arith.minimumf %min3A_549, %add3A_563 : vector<512x1xf32>
    %get3A_565 = arith.constant 0 : index
    %get3A_566 = arith.constant 6656 : index
    %get3A_567 = vector.load %arg6[%get3A_565, %get3A_566] : memref<512x8192xf32, #tpu.memory_space<vmem>>, vector<512x512xf32>
    %le3A_568 = vector.broadcast %max3A_365 : vector<512x1xf32> to vector<512x512xf32>
    %le3A_569 = arith.cmpf ole, %get3A_567, %le3A_568 : vector<512x512xf32>
    %jit3A_570 = arith.constant 1.000000e+09 : f32
    %broadcast_in_dim3A_571 = vector.broadcast %jit3A_570 : f32 to vector<512x512xf32>
    %select_n3A_572 = arith.select %le3A_569, %convert_element_type3A_367, %broadcast_in_dim3A_571 : vector<512x512xi1>, vector<512x512xf32>
    %reduce_min3A_573 = arith.constant dense<0x7F800000> : vector<512xf32>
    %reduce_min3A_574 = vector.multi_reduction <minimumf>, %select_n3A_572, %reduce_min3A_573 [1] : vector<512x512xf32> to vector<512xf32>
    %broadcast_in_dim3A_575 = vector.shape_cast %reduce_min3A_574 : vector<512xf32> to vector<512x1xf32>
    %add3A_576 = arith.constant 6.656000e+03 : f32
    %add3A_577 = vector.broadcast %add3A_576 : f32 to vector<512x1xf32>
    %add3A_578 = arith.addf %broadcast_in_dim3A_575, %add3A_577 : vector<512x1xf32>
    %min3A_579 = arith.minimumf %min3A_564, %add3A_578 : vector<512x1xf32>
    %get3A_580 = arith.constant 0 : index
    %get3A_581 = arith.constant 7168 : index
    %get3A_582 = vector.load %arg6[%get3A_580, %get3A_581] : memref<512x8192xf32, #tpu.memory_space<vmem>>, vector<512x512xf32>
    %le3A_583 = vector.broadcast %max3A_365 : vector<512x1xf32> to vector<512x512xf32>
    %le3A_584 = arith.cmpf ole, %get3A_582, %le3A_583 : vector<512x512xf32>
    %jit3A_585 = arith.constant 1.000000e+09 : f32
    %broadcast_in_dim3A_586 = vector.broadcast %jit3A_585 : f32 to vector<512x512xf32>
    %select_n3A_587 = arith.select %le3A_584, %convert_element_type3A_367, %broadcast_in_dim3A_586 : vector<512x512xi1>, vector<512x512xf32>
    %reduce_min3A_588 = arith.constant dense<0x7F800000> : vector<512xf32>
    %reduce_min3A_589 = vector.multi_reduction <minimumf>, %select_n3A_587, %reduce_min3A_588 [1] : vector<512x512xf32> to vector<512xf32>
    %broadcast_in_dim3A_590 = vector.shape_cast %reduce_min3A_589 : vector<512xf32> to vector<512x1xf32>
    %add3A_591 = arith.constant 7.168000e+03 : f32
    %add3A_592 = vector.broadcast %add3A_591 : f32 to vector<512x1xf32>
    %add3A_593 = arith.addf %broadcast_in_dim3A_590, %add3A_592 : vector<512x1xf32>
    %min3A_594 = arith.minimumf %min3A_579, %add3A_593 : vector<512x1xf32>
    %get3A_595 = arith.constant 0 : index
    %get3A_596 = arith.constant 7680 : index
    %get3A_597 = vector.load %arg6[%get3A_595, %get3A_596] : memref<512x8192xf32, #tpu.memory_space<vmem>>, vector<512x512xf32>
    %le3A_598 = vector.broadcast %max3A_365 : vector<512x1xf32> to vector<512x512xf32>
    %le3A_599 = arith.cmpf ole, %get3A_597, %le3A_598 : vector<512x512xf32>
    %jit3A_600 = arith.constant 1.000000e+09 : f32
    %broadcast_in_dim3A_601 = vector.broadcast %jit3A_600 : f32 to vector<512x512xf32>
    %select_n3A_602 = arith.select %le3A_599, %convert_element_type3A_367, %broadcast_in_dim3A_601 : vector<512x512xi1>, vector<512x512xf32>
    %reduce_min3A_603 = arith.constant dense<0x7F800000> : vector<512xf32>
    %reduce_min3A_604 = vector.multi_reduction <minimumf>, %select_n3A_602, %reduce_min3A_603 [1] : vector<512x512xf32> to vector<512xf32>
    %broadcast_in_dim3A_605 = vector.shape_cast %reduce_min3A_604 : vector<512xf32> to vector<512x1xf32>
    %add3A_606 = arith.constant 7.680000e+03 : f32
    %add3A_607 = vector.broadcast %add3A_606 : f32 to vector<512x1xf32>
    %add3A_608 = arith.addf %broadcast_in_dim3A_605, %add3A_607 : vector<512x1xf32>
    %min3A_609 = arith.minimumf %min3A_594, %add3A_608 : vector<512x1xf32>
    %convert_element_type3A_610 = arith.fptosi %min3A_609 : vector<512x1xf32> to vector<512x1xi32>
    %swap3A_611 = arith.constant 0 : index
    %swap3A_612 = arith.constant 0 : index
    %swap3A_613 = vector.load %arg5[%swap3A_611, %swap3A_612] : memref<512x1xi32, #tpu.memory_space<vmem>>, vector<512x1xi32>
    tpu.vector_store %arg5[%swap3A_611, %swap3A_612], %convert_element_type3A_610 {strides = array<i32>} : memref<512x1xi32, #tpu.memory_space<vmem>>, vector<512x1xi32>,
    return
  }
  func.func @transform_0(%arg0: i32) -> (i32, i32) {
    %c0_i32 = arith.constant 0 : i32
    %c0_i32_0 = arith.constant 0 : i32
    return %arg0, %c0_i32 : i32, i32
  }
  func.func @transform_1(%arg0: i32) -> (i32, i32) {
    %c0_i32 = arith.constant 0 : i32
    %c0_i32_0 = arith.constant 0 : i32
    return %arg0, %c0_i32 : i32, i32
  }
  func.func @transform_2(%arg0: i32) -> (i32, i32) {
    %c0_i32 = arith.constant 0 : i32
    %c0_i32_0 = arith.constant 0 : i32
    %c0_i32_1 = arith.constant 0 : i32
    return %c0_i32, %c0_i32_0 : i32, i32
  }
  func.func @transform_3(%arg0: i32) -> (i32, i32) {
    %c0_i32 = arith.constant 0 : i32
    %c0_i32_0 = arith.constant 0 : i32
    %c0_i32_1 = arith.constant 0 : i32
    return %c0_i32, %c0_i32_0 : i32, i32
  }
  func.func @transform_4(%arg0: i32) -> (i32, i32) {
    %c0_i32 = arith.constant 0 : i32
    %c0_i32_0 = arith.constant 0 : i32
    return %arg0, %c0_i32 : i32, i32
  }
}

</mosaic_0001>

<sc_bundles>
// kernel: kernel.5.cloned.1.call-start
scs
__scs_entry_jumppad:
0x0: {  	(pc) =	sbr.rel $0x88, $3  }
0x1: {  	(tag) =	ssettag $0x0;
	lr =	simm.s32 $0x1  }
0x2: {  	[smem:$0x3F9E] =	sst lr;
	_ =	strace $0xD0000000  }
0x3: {  	_ = 	snop  }
0x4: {  	_ = 	snop  }
0x5: {  	_ = 	snop  }
0x6: {  	_ = 	snop  }
0x7: {  	_ = 	snop  }
__scs_overlays_trampoline_lowered:
0x8: {  	[smem:$0x3FAD] =	sst s0  }
0x9: {  	[smem:$0x3FAE] =	sst s1  }
0xa: {  	[smem:$0x3FAF] =	sst s2  }
0xb: {  	[smem:$0x3FB0] =	sst s3  }
0xc: {  	[smem:$0x3FB1] =	sst s4  }
0xd: {  	[smem:$0x3FB2] =	sst s5  }
0xe: {  	[smem:$0x3FB3] =	sst s6  }
0xf: {  	[smem:$0x3FB4] =	sst s7  }
0x10: {  	[smem:$0x3FB5] =	sst s8  }
0x11: {  	[smem:$0x3FB6] =	sst s9;
	s0 =	simm.s32 @!p0 $0x0  }
0x12: {  	s1 =	sld [smem:$0x3F9C];
	s0 =	simm.s32 @p0 $0x1  }
0x13: {  	[smem:$0x3FB7] =	sst s0;
	s0 =	simm.s32 @!p1 $0x0  }
0x14: {  	s2 =	sld [smem:$0x3F9B];
	s0 =	simm.s32 @p1 $0x1  }
0x15: {  	[smem:$0x3FB8] =	sst s0;
	s0 =	simm.s32 @!p2 $0x0  }
0x16: {  	s3 =	sld [smem:$0x3FDB];
	s0 =	simm.s32 @p2 $0x1  }
0x17: {  	s4 =	simm.s32 $0x1BF5;
	[smem:$0x3FBA] =	sst s0  }
0x18: {  	s0 =	sld [smem:$0x3F9D];
	_ =	swait.ge [sflag:s4], $0x0  }
0x19: {  	s7 =	sld [smem:$0x3F9E]  }
0x1a: {  	s8 =	sadd.s32 $0xFFFFE003, lr  }
0x1b: {  	s9 =	sadd.s32 $0xFFFFFEF7, lr;
	s5 =	simm.s32 $0xFFFFFFFF;
	p2 =	slt.u32 s8, $0xFFFFF086  }
0x1c: {  	p1 =	slt.u32 s9, $0xF7A;
	s5 =	simm.s32 @!p2 $0x0  }
0x1d: {  	s5 =	simm.s32 @p1 $0x1;
	p0 =	seq.s32 s7, s2  }
0x1e: {  	s7 =	smul.u32 @!p0 $0xF7A, s2;
	p2 =	seq.s32 @!p0 s5, $0x0  }
0x1f: {  	s9 =	smul.u32 $0xF7A, s1;
	s8 =	simm.s32 @!p0 $0x1BF5;
	p2 =	por !p2, p0  }
0x20: {  	[sflag:s8] =	ssyncset.s32 @!p0 $0xFFFFF086;
	s6 =	sadd.s32 @!p0 s3, s7;
	s7 =	simm.s32 @!p0 $0x108  }
0x21: {  	s3 =	sadd.s32 s3, s9;
	s6 =	sadd.s32 @!p0 $0x88, s6;
	s7 =	simm.s32 @p2 $0x1082  }
0x22: {  	[simem:s7], [sflag:s8] =	dma.local @!p0 [hbm:s6], $0xF7A  }
0x23: {  	s9 =	sor.u32 $0xD0000000, s2;
	s6 =	simm.s32 $0x108;
	_ =	swait.ge @!p0 [sflag:s8], $0x0  }
0x24: {  	s3 =	sadd.s32 $0x88, s3;
	s6 =	simm.s32 @!p1 $0x1082;
	[sflag:s4] =	ssyncset.s32 $0xFFFFF086  }
0x25: {  	[simem:s6], [sflag:s4] =	dma.local [hbm:s3], $0xF7A  }
0x26: {  	[smem:$0x3F9E] =	sst s1;
	(tag) =	ssettag s2;
	_ =	strace s9  }
0x27: {  	s1 =	sld [smem:$0x3FAE]  }
0x28: {  	s2 =	sld [smem:$0x3FAF]  }
0x29: {  	s4 =	sld [smem:$0x3FB1]  }
0x2a: {  	p0 =	seq.s32 s5, $0x0;
	s5 =	sld [smem:$0x3FB2]  }
0x2b: {  	s6 =	sld [smem:$0x3FB3]  }
0x2c: {  	s7 =	sld [smem:$0x3FB4]  }
0x2d: {  	s3 =	simm.s32 $0x108;
	s8 =	sld [smem:$0x3FB5]  }
0x2e: {  	s3 =	simm.s32 @!p0 $0x1082;
	s9 =	sld [smem:$0x3FB6]  }
0x2f: {  	lr =	sadd.s32 s0, s3;
	s0 =	sld [smem:$0x3FAD]  }
0x30: {  	s3 =	sld [smem:$0x3FB0]  }
0x31: {  	[smem:$0x3FB9] =	sst s10  }
0x32: {  	s10 =	sld [smem:$0x3FB7];
	_ =	sdelay $0x3  }
0x33: {  	p0 =	seq.s32 s10, $0x1;
	s10 =	sld [smem:$0x3FB9];
	_ =	sdelay $0x3  }
0x34: {  	[smem:$0x3FB9] =	sst s10  }
0x35: {  	s10 =	sld [smem:$0x3FB8];
	_ =	sdelay $0x3  }
0x36: {  	p1 =	seq.s32 s10, $0x1;
	s10 =	sld [smem:$0x3FB9];
	_ =	sdelay $0x3  }
0x37: {  	[smem:$0x3FB9] =	sst s10  }
0x38: {  	s10 =	sld [smem:$0x3FBA]  }
0x39: {  	_ = 	snop;
	(pc) =	sbr.ind lr, $3  }
0x3a: {  	_ = 	snop  }
0x3b: {  	_ = 	snop  }
0x3c: {  	p2 =	seq.s32 s10, $0x1;
	s10 =	sld [smem:$0x3FB9]  }
0x3d: {  	_ =	shalt  }
0x3e: {  	_ =	shalt  }
0x3f: {  	_ =	shalt  }
0x40: {  	_ =	shalt  }
0x41: {  	_ =	shalt  }
0x42: {  	_ =	shalt  }
0x43: {  	_ =	shalt  }
0x44: {  	_ =	shalt  }
0x45: {  	_ =	shalt  }
0x46: {  	_ =	shalt  }
0x47: {  	_ =	shalt  }
0x48: {  	_ =	shalt  }
0x49: {  	_ =	shalt  }
0x4a: {  	_ =	shalt  }
0x4b: {  	_ =	shalt  }
0x4c: {  	_ =	shalt  }
0x4d: {  	_ =	shalt  }
0x4e: {  	_ =	shalt  }
0x4f: {  	_ =	shalt  }
0x50: {  	_ =	shalt  }
0x51: {  	_ =	shalt  }
0x52: {  	_ =	shalt  }
0x53: {  	_ =	shalt  }
0x54: {  	_ =	shalt  }
0x55: {  	_ =	shalt  }
0x56: {  	_ =	shalt  }
0x57: {  	_ =	shalt  }
0x58: {  	_ =	shalt  }
0x59: {  	_ =	shalt  }
0x5a: {  	_ =	shalt  }
0x5b: {  	_ =	shalt  }
0x5c: {  	_ =	shalt  }
0x5d: {  	_ =	shalt  }
0x5e: {  	_ =	shalt  }
0x5f: {  	_ =	shalt  }
0x60: {  	_ =	shalt  }
0x61: {  	_ =	shalt  }
0x62: {  	_ =	shalt  }
0x63: {  	_ =	shalt  }
0x64: {  	_ =	shalt  }
0x65: {  	_ =	shalt  }
0x66: {  	_ =	shalt  }
0x67: {  	_ =	shalt  }
0x68: {  	_ =	shalt  }
0x69: {  	_ =	shalt  }
0x6a: {  	_ =	shalt  }
0x6b: {  	_ =	shalt  }
0x6c: {  	_ =	shalt  }
0x6d: {  	_ =	shalt  }
0x6e: {  	_ =	shalt  }
0x6f: {  	_ =	shalt  }
0x70: {  	_ =	shalt  }
0x71: {  	_ =	shalt  }
0x72: {  	_ =	shalt  }
0x73: {  	_ =	shalt  }
0x74: {  	_ =	shalt  }
0x75: {  	_ =	shalt  }
0x76: {  	_ =	shalt  }
0x77: {  	_ =	shalt  }
0x78: {  	_ =	shalt  }
0x79: {  	_ =	shalt  }
0x7a: {  	_ =	shalt  }
0x7b: {  	_ =	shalt  }
0x7c: {  	_ =	shalt  }
0x7d: {  	_ =	shalt  }
0x7e: {  	_ =	shalt  }
0x7f: {  	_ =	shalt  }
0x80: {  	_ =	shalt  }
0x81: {  	_ =	shalt  }
0x82: {  	_ =	shalt  }
0x83: {  	_ =	shalt  }
0x84: {  	_ =	shalt  }
0x85: {  	_ =	shalt  }
0x86: {  	_ =	shalt  }
0x87: {  	_ =	shalt  }
.Lfunc_end0:
.L_simem_size_0:
called_computation_lowered:
.L_overlay_start_0:
0x88: {  	s2 =	sld [smem:$0x3FD9]  }
0x89: {  	s3 =	sld [smem:$0x3FFE];
	_ =	sdelay $0x1  }
0x8a: {  	s1 =	srdreg.scid  }
0x8b: {  	s0 =	sand.u32 $0x1, s1  }
0x8c: {  	s14 =	sshll.u32 s0, $0xA;
	s2 =	sadd.s32 s3, s2  }
0x8d: {  	s2 =	sadd.s32 s2, s14  }
0x8e: {  	[smem:$0x3FC5] =	sst s2  }
0x8f: {  	_ = 	snop  }
0x90: {  	s2 =	sld [smem:$0x3FD0];
	_ =	sdelay $0x2  }
0x91: {  	s15 =	simm.s32 $0xA;
	s4 =	simm.s32 $0x10  }
0x92: {  	[smem:s4], [sflag:s15] =	dma.local [hbm:s2], $0x1  }
0x93: {  	_ =	swait.eq [sflag:s15], $0x1  }
0x94: {  	[sflag:s15] =	ssyncset.done $0x0  }
0x95: {  	s16 =	sld [smem:$0x10];
	[sflag:s15] =	ssyncadd.s32 $0xFFFFFFFF  }
0x96: {  	s17 =	sld [smem:$0x11];
	(tm) =	ssettm $0x1  }
0x97: {  	s18 =	sld [smem:$0x3FFB];
	_ =	sdelay $0x3  }
0x98: {  	_ =	strace s18  }
0x99: {  	s4 =	sld [smem:$0x3FFC];
	_ =	sdelay $0x3  }
0x9a: {  	_ =	strace s4  }
0x9b: {  	s4 =	sld [smem:$0x3FFD];
	_ =	sdelay $0x3  }
0x9c: {  	_ =	strace s4  }
0x9d: {  	_ =	strace $0x8FFFFFFF  }
0x9e: {  	s19 =	sld [smem:$0x3FDB];
	_ =	sdelay $0x1  }
0x9f: {  	s5 =	simm.s32 $_scs_section_size  }
0xa0: {  	s6 =	simm.s32 $_size__tile_overlayer_lowered;
	s7 =	simm.s32 $_tile_overlayer_lowered  }
0xa1: {  	s22 =	simm.s32 $0x1BFF;
	s21 =	sshll.u32 s7, $0x1;
	s4 =	sadd.s32 s5, s19  }
0xa2: {  	s8 =	simm.s32 $0x0;
	s20 =	sshll.u32 s6, $0x1;
	s6 =	sadd.s32 s21, s4  }
0xa3: {  	[timem:s8], [sflag:s22] =	dma.local [hbm:s6], s20  }
0xa4: {  	_ =	swait.ge [sflag:s22], s20  }
0xa5: {  	s5 =	ssub.s32 $0x0, s20;
	[sflag:s22] =	ssyncset.done $0x0  }
0xa6: {  	[sflag:s22] =	ssyncadd.s32 s5;
	_ =	sdelay $0x1  }
0xa7: {  	s23 =	simm.s32 $0x1B8B  }
0xa8: {  	_ =	swait.ge [sflag:s23], $0x1  }
0xa9: {  	[sflag:s23] =	ssyncset.done $0x0  }
0xaa: {  	s25 =	simm.s32 $0x1B8E;
	s24 =	sld [smem:$0x3FFE];
	[sflag:s23] =	ssyncadd.s32 $0xFFFFFFFF  }
0xab: {  	s26 =	simm.s32 $execute0_lowered;
	[smem:$0x3FD2] =	sst s25  }
0xac: {  	s6 =	sshll.u32 s26, $0x1;
	_ =	strace $0x80000046;
	[dreg:$0x1] =	wrdreg $0xFFFFFFFF  }
0xad: {  	s28 =	simm.s32 $_size_execute0_lowered;
	s4 =	sadd.s32 s4, s6;
	[dreg:$0x0] =	wrdreg $0x0  }
0xae: {  	s6 =	sshll.u32 s28, $0x1;
	[dreg:$0x2] =	wrdreg s4  }
0xaf: {  	[dreg:$0x3] =	wrdreg s6  }
0xb0: {  	[dreg:$0x4] =	wrdreg $0xC0  }
0xb1: {  	_ =	task [dreg:s8], $0x5FFFF  }
0xb2: {  	[dreg:$0x1] =	wrdreg $0xFFFFFFFF  }
0xb3: {  	[dreg:$0x0] =	wrdreg $0x60  }
0xb4: {  	[dreg:$0x2] =	wrdreg s24  }
0xb5: {  	[dreg:$0x3] =	wrdreg s17  }
0xb6: {  	[dreg:$0x4] =	wrdreg s16  }
0xb7: {  	[dreg:$0x5] =	wrdreg $0x9  }
0xb8: {  	_ =	task.clear_ibuf [dreg:s8], $0x6FFFF;
	_ =	strace $0x90000046  }
0xb9: {  	s29 =	simm.s32 $0x9;
	_ =	strace $0x8000004F  }
0xba: {  	_ =	swait.ge [sflag:s29], $0x1  }
0xbb: {  	[sflag:s29] =	ssyncadd.s32 $0xFFFFFFFF  }
0xbc: {  	_ =	strace $0x9000004F  }
0xbd: {  	_ =	sfence  }
0xbe: {  	s30 =	sld [smem:$0x0];
	_ =	sdelay $0x2  }
0xbf: {  	s31 =	sshll.u32 s1, $0xD;
	s1 =	sshrl.u32 s1, $0x2  }
0xc0: {  	s3 =	sand.u32 $0x4000, s31;
	s1 =	sadd.s32 s1, s30  }
0xc1: {  	s0 =	sor.u32 s3, s0;
	s1 =	sshll.u32 s1, $0x11  }
0xc2: {  	s0 =	sor.u32 s1, s0  }
0xc3: {  	s0 =	sadd.s32 $0x8F2B, s0  }
0xc4: {  	[sflag:s0] =	ssyncadd.remote.s32 $0x1  }
0xc5: {  	_ =	sfence.sel $0xFFFF  }
0xc6: {  	[dreg:$0x0] =	wrdreg $0xFFFFFFFF;
	(pc) =	sbr.abs _section_cstart, $3  }
0xc7: {  	[dreg:$0x1] =	wrdreg $0xFFFFFFFF  }
0xc8: {  	_ =	task.clear_ibuf [dreg:s8], $0x2FFFF;
	_ =	strace $0x9FFFFFFF  }
0xc9: {  	(tm) =	ssettm $0x7FFFFFFF  }
tec
execute0_lowered:
.L_overlay_start_1:
0x0: {  	(tag) =	ssettag $0x1  }
0x1: {  	s1 =	rddreg [dreg:$0x0]  }
0x2: {  	s2 =	rddreg [dreg:$0x1]  }
0x3: {  	s0 =	rddreg [dreg:$0x2];
	s3 =	srdreg.scid;
	s4 =	simm.s32 $0x0  }
0x4: {  	s8 =	simm.s32 $0x5;
	s9 =	simm.s32 $0x4;
	[dreg:$0x4] =	wrdreg s0  }
0x5: {  	s10 =	simm.s32 $0x0;
	s0 =	rddreg [dreg:$0x3];
	s5 =	sand.u32 $0x1, s3  }
0x6: {  	s3 =	stileid.u32;
	s6 =	ssub.s32 $0x2, s5;
	s5 =	sshll.u32 s5, $0x4  }
0x7: {  	v2 =	vlaneseq.u32;
	[smem:$0x7FF] =	sst s4;
	s7 =	sshrl.u32 s6, $0x1;
	s5 =	sor.u32 s3, s5  }
0x8: {  	vm0 =	vmmov $0xffff;
	v1 =	vshrl.u32 v2, $0x3;
	_ =	strace $0x80000047;
	s7 =	ssub.s32 s6, s7;
	s31 =	sshll.u32 s5, $0x6  }
0x9: {  	v0 =	vand.u32 $0x7, v2;
	v2 =	vor.u32 $0x8, v2;
	v1 =	vmul.u32 $0x8, v1;
	s5 =	sshll.u32 s5, $0x2;
	s6 =	sadd.s32 s2, s31;
	s7 =	smax.u32 s7, $0x1  }
.LBB2_1:
0xa: {  	_ =	strace $0x80000048;
	s11 =	simm.s32 $0x4  }
0xb: {  	s12 =	simm.s32 $0x0;
	s13 =	simm.s32 $0x0;
	s14 =	simm.s32 $0x0  }
0xc: {  	[tilespmem:s4], [sflag:$0x1] =	stream.linear.gather [hbm4b:s6+s4], $0x80, $0x200038;
	[tilespmem:$0x10100] =	vst v63  }
0xd: {  	s15 =	simm.s32 $0x0;
	s16 =	simm.s32 $0x1;
	_ =	strace $0x90000048  }
.LBB2_2:
0xe: {  	s17 =	smov.u32 s12;
	s12 =	sadd.s32 $0x1, s12  }
0xf: {  	p0 =	seq.s32 s12, $0x4  }
0x10: {  	s12 =	simm.s32 @p0 $0x0  }
0x11: {  	p6 =	sne.s32 s11, $0x1;
	p1 =	sne.s32 s17, s12  }
0x12: {  	p0 =	por !p6, !p1  }
0x13: {  	p0 =	por !p0, !p0  }
0x14: {  	s18 =	sadd.s32 @p0 s5, s12  }
0x15: {  	s19 =	sand.u32 @p0 $0x1, s16;
	s18 =	sshll.u32 @p0 s18, $0x4  }
0x16: {  	_ =	strace @p0 $0x80000049;
	s21 =	simm.s32 @p0 $0x0;
	s18 =	sand.u32 @p0 $0x1FFFFFF0, s18  }
0x17: {  	s20 =	sshll.u32 @p0 s19, $0x7;
	s19 =	sadd.s32 @p0 $0x1, s19;
	s18 =	sadd.s32 @p0 s2, s18  }
0x18: {  	[tilespmem:s20], [sflag:s19] =	stream.linear.gather @p0 [hbm4b:s18+s21], $0x80, $0x200038;
	[tilespmem:$0x10100] =	vst v63  }
0x19: {  	s24 =	sand.u32 $0x1, s15;
	_ =	strace @p0 $0x90000049  }
0x1a: {  	s18 =	sadd.s32 $0x1, s24;
	_ =	strace $0x8000004A  }
0x1b: {  	_ =	swait.ge [sflag:s18], $0x80  }
0x1c: {  	[sflag:s18] =	ssyncset.done $0x0  }
0x1d: {  	[sflag:s18] =	ssyncadd.s32 $0xFFFFFF80  }
0x1e: {  	s25 =	sshll.u32 s15, $0x7;
	_ =	strace $0x9000004A  }
0x1f: {  	s21 =	sand.u32 $0x80, s25;
	_ =	strace $0x8000004B  }
0x20: {  	v3 =	vld [tilespmem:s21+$0x0];
	_ =	sdelay $0x4  }
0x21: {  	v4 =	vshll.u32 v3, $0x1  }
0x22: {  	v3 =	vand.u32 $0x7, v3;
	v4 =	vand.u32 $0xFFFFFFF0, v4  }
0x23: {  	v3 =	vor.u32 v3, v4  }
0x24: {  	v4 =	vperm.xlane v3, v0;
	_ =	sdelay $0x1  }
0x25: {  	v3 =	vperm.xlane v3, v2;
	v4 =	vadd.s32 v1, v4;
	_ =	sdelay $0x1  }
0x26: {  	s18 =	sand.u32 $0x1, s14;
	v3 =	vadd.s32 v1, v3  }
0x27: {  	s20 =	sshll.u32 s18, $0xF  }
0x28: {  	s19 =	sor.u32 $0x100, s20  }
0x29: {  	[tilespmem:s19], [sflag:$0x5] =	stream.indirect_vreg.gather [hbm4b:s1+s4], $0x80, v4, vm0, $0x2000b8;
	[tilespmem:$0x10100] =	vst v63  }
0x2a: {  	s22 =	sor.u32 $0x900, s20  }
0x2b: {  	[tilespmem:s22], [sflag:$0x5] =	stream.indirect_vreg.gather [hbm4b:s1+s4], $0x80, v3, vm0, $0x2000b8;
	[tilespmem:$0x10100] =	vst v63  }
0x2c: {  	v3 =	vld [tilespmem:s21+$0x10];
	_ =	sdelay $0x4  }
0x2d: {  	v57 =	vshll.u32 v3, $0x1  }
0x2e: {  	v3 =	vand.u32 $0x7, v3;
	v4 =	vand.u32 $0xFFFFFFF0, v57  }
0x2f: {  	v3 =	vor.u32 v3, v4  }
0x30: {  	v4 =	vperm.xlane v3, v0;
	_ =	sdelay $0x1  }
0x31: {  	v3 =	vperm.xlane v3, v2;
	v4 =	vadd.s32 v1, v4;
	_ =	sdelay $0x1  }
0x32: {  	v3 =	vadd.s32 v1, v3;
	_ =	sdelay $0x1  }
0x33: {  	s26 =	sor.u32 $0x1100, s20  }
0x34: {  	[tilespmem:s26], [sflag:$0x5] =	stream.indirect_vreg.gather [hbm4b:s1+s4], $0x80, v4, vm0, $0x2000b8;
	[tilespmem:$0x10100] =	vst v63  }
0x35: {  	s28 =	sor.u32 $0x1900, s20  }
0x36: {  	[tilespmem:s28], [sflag:$0x5] =	stream.indirect_vreg.gather [hbm4b:s1+s4], $0x80, v3, vm0, $0x2000b8;
	[tilespmem:$0x10100] =	vst v63  }
0x37: {  	v3 =	vld [tilespmem:s21+$0x20];
	_ =	sdelay $0x4  }
0x38: {  	v58 =	vshll.u32 v3, $0x1  }
0x39: {  	v3 =	vand.u32 $0x7, v3;
	v4 =	vand.u32 $0xFFFFFFF0, v58  }
0x3a: {  	v3 =	vor.u32 v3, v4  }
0x3b: {  	v4 =	vperm.xlane v3, v0;
	_ =	sdelay $0x1  }
0x3c: {  	v3 =	vperm.xlane v3, v2;
	v4 =	vadd.s32 v1, v4;
	_ =	sdelay $0x1  }
0x3d: {  	v3 =	vadd.s32 v1, v3;
	_ =	sdelay $0x1  }
0x3e: {  	s29 =	sor.u32 $0x2100, s20  }
0x3f: {  	[tilespmem:s29], [sflag:$0x5] =	stream.indirect_vreg.gather [hbm4b:s1+s4], $0x80, v4, vm0, $0x2000b8;
	[tilespmem:$0x10100] =	vst v63  }
0x40: {  	s30 =	sor.u32 $0x2900, s20  }
0x41: {  	[tilespmem:s30], [sflag:$0x5] =	stream.indirect_vreg.gather [hbm4b:s1+s4], $0x80, v3, vm0, $0x2000b8;
	[tilespmem:$0x10100] =	vst v63  }
0x42: {  	v3 =	vld [tilespmem:s21+$0x30];
	_ =	sdelay $0x4  }
0x43: {  	v59 =	vshll.u32 v3, $0x1  }
0x44: {  	v3 =	vand.u32 $0x7, v3;
	v4 =	vand.u32 $0xFFFFFFF0, v59  }
0x45: {  	v3 =	vor.u32 v3, v4  }
0x46: {  	v4 =	vperm.xlane v3, v0;
	_ =	sdelay $0x1  }
0x47: {  	v3 =	vperm.xlane v3, v2;
	v4 =	vadd.s32 v1, v4;
	_ =	sdelay $0x1  }
0x48: {  	v3 =	vadd.s32 v1, v3;
	_ =	sdelay $0x1  }
0x49: {  	s31 =	sor.u32 $0x3100, s20  }
0x4a: {  	[tilespmem:s31], [sflag:$0x5] =	stream.indirect_vreg.gather [hbm4b:s1+s4], $0x80, v4, vm0, $0x2000b8;
	[tilespmem:$0x10100] =	vst v63  }
0x4b: {  	s23 =	sor.u32 $0x3900, s20  }
0x4c: {  	[tilespmem:s23], [sflag:$0x5] =	stream.indirect_vreg.gather [hbm4b:s1+s4], $0x80, v3, vm0, $0x2000b8;
	[tilespmem:$0x10100] =	vst v63  }
0x4d: {  	v3 =	vld [tilespmem:s21+$0x40];
	_ =	sdelay $0x4  }
0x4e: {  	v60 =	vshll.u32 v3, $0x1  }
0x4f: {  	v3 =	vand.u32 $0x7, v3;
	v4 =	vand.u32 $0xFFFFFFF0, v60  }
0x50: {  	v3 =	vor.u32 v3, v4  }
0x51: {  	v4 =	vperm.xlane v3, v0;
	_ =	sdelay $0x1  }
0x52: {  	v3 =	vperm.xlane v3, v2;
	v4 =	vadd.s32 v1, v4;
	_ =	sdelay $0x1  }
0x53: {  	v3 =	vadd.s32 v1, v3;
	_ =	sdelay $0x1  }
0x54: {  	s24 =	sor.u32 $0x4100, s20  }
0x55: {  	[tilespmem:s24], [sflag:$0x5] =	stream.indirect_vreg.gather [hbm4b:s1+s4], $0x80, v4, vm0, $0x2000b8;
	[tilespmem:$0x10100] =	vst v63  }
0x56: {  	s25 =	sor.u32 $0x4900, s20  }
0x57: {  	[tilespmem:s25], [sflag:$0x5] =	stream.indirect_vreg.gather [hbm4b:s1+s4], $0x80, v3, vm0, $0x2000b8;
	[tilespmem:$0x10100] =	vst v63  }
0x58: {  	v3 =	vld [tilespmem:s21+$0x50];
	_ =	sdelay $0x4  }
0x59: {  	v61 =	vshll.u32 v3, $0x1  }
0x5a: {  	v3 =	vand.u32 $0x7, v3;
	v4 =	vand.u32 $0xFFFFFFF0, v61  }
0x5b: {  	v3 =	vor.u32 v3, v4  }
0x5c: {  	v4 =	vperm.xlane v3, v0;
	_ =	sdelay $0x1  }
0x5d: {  	v3 =	vperm.xlane v3, v2;
	v4 =	vadd.s32 v1, v4;
	_ =	sdelay $0x1  }
0x5e: {  	v3 =	vadd.s32 v1, v3;
	_ =	sdelay $0x1  }
0x5f: {  	s26 =	sor.u32 $0x5100, s20  }
0x60: {  	[tilespmem:s26], [sflag:$0x5] =	stream.indirect_vreg.gather [hbm4b:s1+s4], $0x80, v4, vm0, $0x2000b8;
	[tilespmem:$0x10100] =	vst v63  }
0x61: {  	s28 =	sor.u32 $0x5900, s20  }
0x62: {  	[tilespmem:s28], [sflag:$0x5] =	stream.indirect_vreg.gather [hbm4b:s1+s4], $0x80, v3, vm0, $0x2000b8;
	[tilespmem:$0x10100] =	vst v63  }
0x63: {  	v3 =	vld [tilespmem:s21+$0x60];
	_ =	sdelay $0x4  }
0x64: {  	v62 =	vshll.u32 v3, $0x1  }
0x65: {  	v3 =	vand.u32 $0x7, v3;
	v4 =	vand.u32 $0xFFFFFFF0, v62  }
0x66: {  	v3 =	vor.u32 v3, v4  }
0x67: {  	v4 =	vperm.xlane v3, v0;
	_ =	sdelay $0x1  }
0x68: {  	v3 =	vperm.xlane v3, v2;
	v4 =	vadd.s32 v1, v4;
	_ =	sdelay $0x1  }
0x69: {  	v3 =	vadd.s32 v1, v3;
	_ =	sdelay $0x1  }
0x6a: {  	s29 =	sor.u32 $0x6100, s20  }
0x6b: {  	[tilespmem:s29], [sflag:$0x5] =	stream.indirect_vreg.gather [hbm4b:s1+s4], $0x80, v4, vm0, $0x2000b8;
	[tilespmem:$0x10100] =	vst v63  }
0x6c: {  	s30 =	sor.u32 $0x6900, s20  }
0x6d: {  	[tilespmem:s30], [sflag:$0x5] =	stream.indirect_vreg.gather [hbm4b:s1+s4], $0x80, v3, vm0, $0x2000b8;
	[tilespmem:$0x10100] =	vst v63  }
0x6e: {  	v3 =	vld [tilespmem:s21+$0x70];
	_ =	sdelay $0x4  }
0x6f: {  	v63 =	vshll.u32 v3, $0x1  }
0x70: {  	v3 =	vand.u32 $0x7, v3;
	v4 =	vand.u32 $0xFFFFFFF0, v63  }
0x71: {  	v3 =	vor.u32 v3, v4  }
0x72: {  	v4 =	vperm.xlane v3, v0;
	_ =	sdelay $0x1  }
0x73: {  	v3 =	vperm.xlane v3, v2;
	v4 =	vadd.s32 v1, v4;
	_ =	sdelay $0x1  }
0x74: {  	v3 =	vadd.s32 v1, v3;
	_ =	sdelay $0x1  }
0x75: {  	s31 =	sor.u32 $0x7100, s20  }
0x76: {  	[tilespmem:s31], [sflag:$0x5] =	stream.indirect_vreg.gather [hbm4b:s1+s4], $0x80, v4, vm0, $0x2000b8;
	[tilespmem:$0x10100] =	vst v63  }
0x77: {  	s20 =	sor.u32 $0x7900, s20  }
0x78: {  	[tilespmem:s20], [sflag:$0x5] =	stream.indirect_vreg.gather [hbm4b:s1+s4], $0x80, v3, vm0, $0x2000b8;
	[tilespmem:$0x10100] =	vst v63  }
0x79: {  	_ =	swait.ge [sflag:s8], $0x8000  }
0x7a: {  	p2 =	seq.s32 s11, $0x1;
	[sflag:s8] =	ssyncset.done $0x0  }
0x7b: {  	s17 =	sadd.s32 s5, s17;
	p1 =	por p2, p1;
	[sflag:s8] =	ssyncadd.s32 $0xFFFF8000  }
0x7c: {  	s17 =	sshll.u32 @p1 s17, $0xC;
	_ =	strace $0x9000004B  }
0x7d: {  	s17 =	sand.u32 @p1 $0x1FFFF000, s17;
	s21 =	simm.s32 $0x1;
	_ =	strace @p1 $0x8000004C  }
0x7e: {  	s18 =	sadd.s32 @p1 $0x3, s18;
	s21 =	simm.s32 @!p0 $0x0;
	s20 =	rddreg [dreg:$0x4]  }
0x7f: {  	p0 =	seq.s32 s11, $0x4;
	s17 =	sadd.s32 @p1 s20, s17;
	s20 =	simm.s32 @p1 $0x0  }
0x80: {  	[hbm4b:s17+s20] =	stream.linear.scatter @p1 [tilespmem:s19], [sflag:s18], $0x8000, $0x200038;
	[tilespmem:$0x10100] =	vst v63  }
0x81: {  	s17 =	simm.s32 $0x1;
	s19 =	simm.s32 $0x1;
	_ =	strace @p1 $0x9000004C  }
0x82: {  	s17 =	simm.s32 @!p1 $0x0;
	p1 =	sne.s32 s11, $0x4;
	s11 =	sadd.s32 $0xFFFFFFFF, s11  }
0x83: {  	s18 =	sand.u32 @!p0 $0x1, s13;
	s19 =	simm.s32 @!p1 $0x0;
	p1 =	sne.s32 s11, $0x0  }
.Ltmp0:
0x84: {  	s18 =	sadd.s32 @!p0 $0x3, s18;
	_ =	strace @!p0 $0x8000004D;
	(pc) =	sbr.rel @p1 .LBB2_2-.Ltmp0, $4  }
0x85: {  	_ =	swait.ge @!p0 [sflag:s18], $0x8000  }
0x86: {  	[sflag:s18] =	ssyncset.done @!p0 $0x0  }
0x87: {  	s16 =	sadd.s32 s21, s16;
	s14 =	sadd.s32 s17, s14;
	[sflag:s18] =	ssyncadd.s32 @!p0 $0xFFFF8000  }
0x88: {  	s15 =	sadd.s32 s17, s15;
	s13 =	sadd.s32 s19, s13;
	_ =	strace @!p0 $0x9000004D  }
0x89: {  	s10 =	sadd.s32 $0x1, s10  }
0x8a: {  	p0 =	sne.s32 s10, s7  }
.Ltmp1:
0x8b: {  	_ =	strace $0x8000004E;
	(pc) =	sbr.rel @p0 .LBB2_1-.Ltmp1, $4  }
0x8c: {  	_ =	swait.ge [sflag:s9], $0x8000  }
0x8d: {  	[sflag:s9] =	ssyncset.done $0x0  }
0x8e: {  	[sflag:s9] =	ssyncadd.s32 $0xFFFF8000  }
0x8f: {  	_ =	strace $0x9000004E  }
0x90: {  	_ =	sfence.sel $0x180000  }
0x91: {  	[bflag:$0x0] =	sbarrier.arrive $0xFFFF  }
0x92: {  	p0 =	sne.s32 s3, $0x0;
	_ =	strace $0x90000047  }
0x93: {  	s0 =	sadd.s32 @!p0 $0x100000, s0;
	[bflag:$0x2] =	sbarrier.arrive $0xFFFF  }
0x94: {  	[sflag:s0] =	ssyncadd.tile.s32 @!p0 $0x1;
	_ =	shalt  }
.Lfunc_end2:
_tile_overlayer_lowered:
.L_overlay_start_2:
0x95: {  	(tag) =	ssettag $0x2  }
0x96: {  	s0 =	rddreg [dreg:$0x0];
	s2 =	stileid.u32  }
0x97: {  	s1 =	rddreg [dreg:$0x1];
	p0 =	sne.s32 s2, $0x0  }
0x98: {  	s3 =	rddreg [dreg:$0x2];
	[bflag:$0x3] =	sbarrier.arrive $0xFFFF;
	s2 =	simm.s32 @!p0 $0x1C01  }
0x99: {  	[timem:s3], [sflag:s2] =	dma.local @!p0 [hbm:s0], s1  }
0x9a: {  	s0 =	simm.s32 @!p0 $0x1  }
0x9b: {  	_ =	swait.ge @!p0 [sflag:s0], s1  }
0x9c: {  	s1 =	ssub.s32 @!p0 $0x0, s1;
	[sflag:s0] =	ssyncset.done @!p0 $0x0  }
0x9d: {  	[sflag:s0] =	ssyncadd.s32 @!p0 s1  }
0x9e: {  	[bflag:$0x3] =	sbarrier.arrive $0xFFFF  }
0x9f: {  	_ =	shalt  }

</sc_bundles>
